<compile_context>
chip_gen: v7x
topology: tpu7x:2x2x1
jax: 0.10.2.dev20260603
libtpu: 0.0.44.dev20260713+nightly
codegen_flags: <defaults>
</compile_context>

<pallas_src>
import functools

import jax
import jax.numpy as jnp
from jax import lax
from jax.experimental import pallas as pl
from jax.experimental.pallas import tpu as pltpu
from jax.experimental.pallas import tpu_sc as plsc

VOCAB = 151936
DIM = 1536
INPUT_ROWS = 4
INPUT_COLS = 2048
B = INPUT_ROWS * INPUT_COLS
NUM_WORKERS = 32
B_PER_W = B // NUM_WORKERS
CHUNK = 16
NCHUNK = B_PER_W // CHUNK
NBUF = 5
LAG = 2


def _gather_desc(table_hbm, idx_v, bufs_v, gsem, chunk, buf):
    return pltpu.make_async_copy(
        table_hbm.at[idx_v.at[pl.ds(chunk * CHUNK, CHUNK)]],
        bufs_v.at[buf], gsem.at[buf])


def _out_desc(out_hbm, bufs_v, osem, base, chunk, buf):
    return pltpu.make_async_copy(
        bufs_v.at[buf], out_hbm.at[pl.ds(base + chunk * CHUNK, CHUNK)],
        osem.at[buf])


def _gather_kernel(idx_hbm, table_hbm, out_hbm, idx_v, bufs_v, gsem, osem):
    wid = lax.axis_index("s") * 2 + lax.axis_index("c")
    base = wid * B_PER_W
    row = base // INPUT_COLS
    col = base % INPUT_COLS
    pltpu.sync_copy(idx_hbm.at[row, pl.ds(col, B_PER_W)], idx_v)

    for b in range(NBUF):
        _gather_desc(table_hbm, idx_v, bufs_v, gsem, b, b).start()

    @pl.loop(0, NCHUNK)
    def _steady(i):
        b = lax.rem(i, NBUF)
        _gather_desc(table_hbm, idx_v, bufs_v, gsem, i, b).wait()
        _out_desc(out_hbm, bufs_v, osem, base, i, b).start()
        j = i - LAG

        @pl.when(j >= 0)
        def _():
            b2 = lax.rem(j, NBUF)
            _out_desc(out_hbm, bufs_v, osem, base, j, b2).wait()

            @pl.when(j + NBUF < NCHUNK)
            def _():
                _gather_desc(table_hbm, idx_v, bufs_v, gsem,
                             j + NBUF, b2).start()

    for k in range(NCHUNK - LAG, NCHUNK):
        _out_desc(out_hbm, bufs_v, osem, base, k, k % NBUF).wait()


@jax.jit
def kernel(input_ids, table):
    idx = input_ids.astype(jnp.int32)
    mesh = plsc.VectorSubcoreMesh(core_axis_name="c", subcore_axis_name="s")
    run = functools.partial(
        pl.kernel,
        mesh=mesh,
        out_type=jax.ShapeDtypeStruct((B, DIM), jnp.float32),
        scratch_types=[
            pltpu.VMEM((B_PER_W,), jnp.int32),
            pltpu.VMEM((NBUF, CHUNK, DIM), jnp.float32),
            pltpu.SemaphoreType.DMA((NBUF,)),
            pltpu.SemaphoreType.DMA((NBUF,)),
        ],
    )(_gather_kernel)
    out = run(idx, table)
    return out.reshape(input_ids.shape + (DIM,))

# --- scband reference (transcript-rebuilt; emitter-appended) ---
"""Pipeline reference for scband-wrapped-sub-model-35493609734458 (READ-ONLY COPY).

The authoritative reference and input builder live on the scoring server;
editing this copy changes nothing except your own understanding.
"""

import jax, jax.numpy as jnp
import numpy as np

VOCAB = 151936
DIM = 1536

def setup_inputs(seed: int = 0) -> dict:
    key = jax.random.key(seed)
    k1, k2 = jax.random.split(key)
    input_ids = jax.random.randint(k1, (4, 2048), 0, VOCAB, dtype=jnp.int64 if jax.config.jax_enable_x64 else jnp.int32)
    table = jax.random.normal(k2, (VOCAB, DIM), dtype=jnp.float32) * 0.02
    return {"input_ids": input_ids, "table": table}

def reference(input_ids, table):
    # torch.nn.Embedding forward: row gather from the embedding table
    x = jnp.take(table, input_ids, axis=0)
    return x

if __name__ == "__main__":
    import jax
    _d = setup_inputs()
    print(jax.jit(kernel)(*tuple(_d.values())))

</pallas_src>

<mosaic_0001>
#map = affine_map<(d0, d1) -> (0, 0)>
module attributes {stable_mosaic.version = 14 : i64} {
  func.func @_gather_kernel(%arg0: i32, %arg1: i32, %arg2: memref<4x2048xi32, #tpu.memory_space<hbm>>, %arg3: memref<151936x1536xf32, #tpu.memory_space<hbm>>, %arg4: memref<8192x1536xf32, #tpu.memory_space<hbm>>, %arg5: memref<256xi32, #tpu.memory_space<vmem>>, %arg6: memref<5x16x1536xf32, #tpu.memory_space<vmem>>, %arg7: memref<5x!tpu.dma_semaphore, #tpu.memory_space<semaphore_mem>>, %arg8: memref<5x!tpu.dma_semaphore, #tpu.memory_space<semaphore_mem>>) attributes {dimension_semantics = [#tpu.dimension_semantics<core_parallel>, #tpu.dimension_semantics<subcore_parallel>], iteration_bounds = array<i64: 2, 16>, scalar_prefetch = 0 : i64, scratch_operands = 4 : i64, tpu.core_type = #tpu.core_type<sc_vector_subcore>, window_params = [{transform_indices = #map}, {transform_indices = #map}, {transform_indices = #map}]} {
    %mul3A = arith.constant 2 : i32
    %mul3A_0 = arith.muli %arg1, %mul3A : i32
    %add3A = arith.addi %mul3A_0, %arg0 : i32
    %mul3A_1 = arith.constant 256 : i32
    %mul3A_2 = arith.muli %add3A, %mul3A_1 : i32
    %jit3A = arith.constant 2048 : i32
    %div3A = arith.divsi %mul3A_2, %jit3A : i32
    %sign3A = arith.constant 0 : i32
    %sign3A_3 = arith.cmpi sgt, %mul3A_2, %sign3A : i32
    %sign3A_4 = arith.extui %sign3A_3 : i1 to i32
    %sign3A_5 = arith.constant 0 : i32
    %sign3A_6 = arith.cmpi slt, %mul3A_2, %sign3A_5 : i32
    %sign3A_7 = arith.extui %sign3A_6 : i1 to i32
    %sign3A_8 = arith.subi %sign3A_4, %sign3A_7 : i32
    %sign3A_9 = arith.constant 0 : i32
    %sign3A_10 = arith.cmpi sgt, %jit3A, %sign3A_9 : i32
    %sign3A_11 = arith.extui %sign3A_10 : i1 to i32
    %sign3A_12 = arith.constant 0 : i32
    %sign3A_13 = arith.cmpi slt, %jit3A, %sign3A_12 : i32
    %sign3A_14 = arith.extui %sign3A_13 : i1 to i32
    %sign3A_15 = arith.subi %sign3A_11, %sign3A_14 : i32
    %ne3A = arith.cmpi ne, %sign3A_8, %sign3A_15 : i32
    %rem3A = arith.remsi %mul3A_2, %jit3A : i32
    %ne3A_16 = arith.constant 0 : i32
    %ne3A_17 = arith.cmpi ne, %rem3A, %ne3A_16 : i32
    %and3A = arith.andi %ne3A, %ne3A_17 : i1
    %sub3A = arith.constant 1 : i32
    %sub3A_18 = arith.subi %div3A, %sub3A : i32
    %select_n3A = arith.select %and3A, %sub3A_18, %div3A : i32
    %jit3A_19 = arith.constant 2048 : i32
    %eq3A = arith.constant 0 : i32
    %eq3A_20 = arith.cmpi eq, %jit3A_19, %eq3A : i32
    %jit3A_21 = arith.constant 1 : i32
    %select_n3A_22 = arith.select %eq3A_20, %jit3A_21, %jit3A_19 : i32
    %rem3A_23 = arith.remsi %mul3A_2, %select_n3A_22 : i32
    %ne3A_24 = arith.constant 0 : i32
    %ne3A_25 = arith.cmpi ne, %rem3A_23, %ne3A_24 : i32
    %lt3A = arith.constant 0 : i32
    %lt3A_26 = arith.cmpi slt, %rem3A_23, %lt3A : i32
    %lt3A_27 = arith.constant 0 : i32
    %lt3A_28 = arith.cmpi slt, %select_n3A_22, %lt3A_27 : i32
    %ne3A_29 = arith.xori %lt3A_26, %lt3A_28 : i1
    %and3A_30 = arith.andi %ne3A_29, %ne3A_25 : i1
    %add3A_31 = arith.addi %rem3A_23, %select_n3A_22 : i32
    %select_n3A_32 = arith.select %and3A_30, %add3A_31, %rem3A_23 : i32
    "tpu.region"() ({
      %run_scoped3A = tpu.sem_alloc : memref<!tpu.dma_semaphore, #tpu.memory_space<semaphore_mem>>
      %dma_start3A_136 = tpu.memref_slice %arg2[%select_n3A, %select_n3A_32] : memref<4x2048xi32, #tpu.memory_space<hbm>> -> memref<1x256xi32, #tpu.memory_space<hbm>>
      %dma_start3A_137 = tpu.memref_squeeze %dma_start3A_136 : memref<1x256xi32, #tpu.memory_space<hbm>> -> memref<256xi32, #tpu.memory_space<hbm>>
      %dma_start3A_138 = tpu.memref_slice %arg2[%select_n3A, %select_n3A_32] : memref<4x2048xi32, #tpu.memory_space<hbm>> -> memref<1x256xi32, #tpu.memory_space<hbm>>
      %dma_start3A_139 = tpu.memref_squeeze %dma_start3A_138 : memref<1x256xi32, #tpu.memory_space<hbm>> -> memref<256xi32, #tpu.memory_space<hbm>>
      tpu.enqueue_dma source(%dma_start3A_139 : memref<256xi32, #tpu.memory_space<hbm>>) target(%arg5 : memref<256xi32, #tpu.memory_space<vmem>>) target_semaphore(%run_scoped3A : memref<!tpu.dma_semaphore, #tpu.memory_space<semaphore_mem>>)
      %dma_wait3A_140 = tpu.memref_slice %arg2[%select_n3A, %select_n3A_32] : memref<4x2048xi32, #tpu.memory_space<hbm>> -> memref<1x256xi32, #tpu.memory_space<hbm>>
      %dma_wait3A_141 = tpu.memref_squeeze %dma_wait3A_140 : memref<1x256xi32, #tpu.memory_space<hbm>> -> memref<256xi32, #tpu.memory_space<hbm>>
      %dma_wait3A_142 = tpu.memref_slice %arg2[%select_n3A, %select_n3A_32] : memref<4x2048xi32, #tpu.memory_space<hbm>> -> memref<1x256xi32, #tpu.memory_space<hbm>>
      %dma_wait3A_143 = tpu.memref_squeeze %dma_wait3A_142 : memref<1x256xi32, #tpu.memory_space<hbm>> -> memref<256xi32, #tpu.memory_space<hbm>>
      tpu.wait_dma2 semaphore(%run_scoped3A : memref<!tpu.dma_semaphore, #tpu.memory_space<semaphore_mem>>) src(%dma_wait3A_143 : memref<256xi32, #tpu.memory_space<hbm>>) dst(%arg5 : memref<256xi32, #tpu.memory_space<vmem>>)
      tpu.yield
    }) : () -> ()
    %dma_start3A = arith.constant 0 : i32
    %dma_start3A_33 = arith.constant 0 : i32
    %dma_start3A_34 = arith.constant 0 : i32
    %dma_start3A_35 = arith.constant 0 : i32
    %dma_start3A_36 = tpu.memref_slice %arg6[%dma_start3A, %dma_start3A_34, %dma_start3A_35] : memref<5x16x1536xf32, #tpu.memory_space<vmem>> -> memref<1x16x1536xf32, #tpu.memory_space<vmem>>
    %dma_start3A_37 = tpu.memref_squeeze %dma_start3A_36 : memref<1x16x1536xf32, #tpu.memory_space<vmem>> -> memref<16x1536xf32, #tpu.memory_space<vmem>>
    %dma_start3A_38 = arith.constant 0 : i32
    %dma_start3A_39 = tpu.memref_slice %arg5[%dma_start3A_38] : memref<256xi32, #tpu.memory_space<vmem>> -> memref<16xi32, #tpu.memory_space<vmem>>
    %dma_start3A_40 = arith.constant 0 : i32
    %dma_start3A_41 = arith.constant 0 : i32
    %dma_start3A_42 = tpu.memref_slice %arg3[%dma_start3A_40, %dma_start3A_41] : memref<151936x1536xf32, #tpu.memory_space<hbm>> -> memref<151936x1536xf32, #tpu.memory_space<hbm>>
    %dma_start3A_43 = tpu.memref_slice %arg7[%dma_start3A_33] : memref<5x!tpu.dma_semaphore, #tpu.memory_space<semaphore_mem>> -> memref<1x!tpu.dma_semaphore, #tpu.memory_space<semaphore_mem>>
    %dma_start3A_44 = tpu.memref_squeeze %dma_start3A_43 : memref<1x!tpu.dma_semaphore, #tpu.memory_space<semaphore_mem>> -> memref<!tpu.dma_semaphore, #tpu.memory_space<semaphore_mem>>
    tpu.enqueue_indirect_dma source(%dma_start3A_42 : memref<151936x1536xf32, #tpu.memory_space<hbm>>) target(%dma_start3A_37 : memref<16x1536xf32, #tpu.memory_space<vmem>>) offsets(%dma_start3A_39 : memref<16xi32, #tpu.memory_space<vmem>>) semaphore(%dma_start3A_44 : memref<!tpu.dma_semaphore, #tpu.memory_space<semaphore_mem>>)
    %dma_start3A_45 = arith.constant 1 : i32
    %dma_start3A_46 = arith.constant 1 : i32
    %dma_start3A_47 = arith.constant 0 : i32
    %dma_start3A_48 = arith.constant 0 : i32
    %dma_start3A_49 = tpu.memref_slice %arg6[%dma_start3A_45, %dma_start3A_47, %dma_start3A_48] : memref<5x16x1536xf32, #tpu.memory_space<vmem>> -> memref<1x16x1536xf32, #tpu.memory_space<vmem>>
    %dma_start3A_50 = tpu.memref_squeeze %dma_start3A_49 : memref<1x16x1536xf32, #tpu.memory_space<vmem>> -> memref<16x1536xf32, #tpu.memory_space<vmem>>
    %dma_start3A_51 = arith.constant 16 : i32
    %dma_start3A_52 = tpu.memref_slice %arg5[%dma_start3A_51] : memref<256xi32, #tpu.memory_space<vmem>> -> memref<16xi32, #tpu.memory_space<vmem>>
    %dma_start3A_53 = arith.constant 0 : i32
    %dma_start3A_54 = arith.constant 0 : i32
    %dma_start3A_55 = tpu.memref_slice %arg3[%dma_start3A_53, %dma_start3A_54] : memref<151936x1536xf32, #tpu.memory_space<hbm>> -> memref<151936x1536xf32, #tpu.memory_space<hbm>>
    %dma_start3A_56 = tpu.memref_slice %arg7[%dma_start3A_46] : memref<5x!tpu.dma_semaphore, #tpu.memory_space<semaphore_mem>> -> memref<1x!tpu.dma_semaphore, #tpu.memory_space<semaphore_mem>>
    %dma_start3A_57 = tpu.memref_squeeze %dma_start3A_56 : memref<1x!tpu.dma_semaphore, #tpu.memory_space<semaphore_mem>> -> memref<!tpu.dma_semaphore, #tpu.memory_space<semaphore_mem>>
    tpu.enqueue_indirect_dma source(%dma_start3A_55 : memref<151936x1536xf32, #tpu.memory_space<hbm>>) target(%dma_start3A_50 : memref<16x1536xf32, #tpu.memory_space<vmem>>) offsets(%dma_start3A_52 : memref<16xi32, #tpu.memory_space<vmem>>) semaphore(%dma_start3A_57 : memref<!tpu.dma_semaphore, #tpu.memory_space<semaphore_mem>>)
    %dma_start3A_58 = arith.constant 2 : i32
    %dma_start3A_59 = arith.constant 2 : i32
    %dma_start3A_60 = arith.constant 0 : i32
    %dma_start3A_61 = arith.constant 0 : i32
    %dma_start3A_62 = tpu.memref_slice %arg6[%dma_start3A_58, %dma_start3A_60, %dma_start3A_61] : memref<5x16x1536xf32, #tpu.memory_space<vmem>> -> memref<1x16x1536xf32, #tpu.memory_space<vmem>>
    %dma_start3A_63 = tpu.memref_squeeze %dma_start3A_62 : memref<1x16x1536xf32, #tpu.memory_space<vmem>> -> memref<16x1536xf32, #tpu.memory_space<vmem>>
    %dma_start3A_64 = arith.constant 32 : i32
    %dma_start3A_65 = tpu.memref_slice %arg5[%dma_start3A_64] : memref<256xi32, #tpu.memory_space<vmem>> -> memref<16xi32, #tpu.memory_space<vmem>>
    %dma_start3A_66 = arith.constant 0 : i32
    %dma_start3A_67 = arith.constant 0 : i32
    %dma_start3A_68 = tpu.memref_slice %arg3[%dma_start3A_66, %dma_start3A_67] : memref<151936x1536xf32, #tpu.memory_space<hbm>> -> memref<151936x1536xf32, #tpu.memory_space<hbm>>
    %dma_start3A_69 = tpu.memref_slice %arg7[%dma_start3A_59] : memref<5x!tpu.dma_semaphore, #tpu.memory_space<semaphore_mem>> -> memref<1x!tpu.dma_semaphore, #tpu.memory_space<semaphore_mem>>
    %dma_start3A_70 = tpu.memref_squeeze %dma_start3A_69 : memref<1x!tpu.dma_semaphore, #tpu.memory_space<semaphore_mem>> -> memref<!tpu.dma_semaphore, #tpu.memory_space<semaphore_mem>>
    tpu.enqueue_indirect_dma source(%dma_start3A_68 : memref<151936x1536xf32, #tpu.memory_space<hbm>>) target(%dma_start3A_63 : memref<16x1536xf32, #tpu.memory_space<vmem>>) offsets(%dma_start3A_65 : memref<16xi32, #tpu.memory_space<vmem>>) semaphore(%dma_start3A_70 : memref<!tpu.dma_semaphore, #tpu.memory_space<semaphore_mem>>)
    %dma_start3A_71 = arith.constant 3 : i32
    %dma_start3A_72 = arith.constant 3 : i32
    %dma_start3A_73 = arith.constant 0 : i32
    %dma_start3A_74 = arith.constant 0 : i32
    %dma_start3A_75 = tpu.memref_slice %arg6[%dma_start3A_71, %dma_start3A_73, %dma_start3A_74] : memref<5x16x1536xf32, #tpu.memory_space<vmem>> -> memref<1x16x1536xf32, #tpu.memory_space<vmem>>
    %dma_start3A_76 = tpu.memref_squeeze %dma_start3A_75 : memref<1x16x1536xf32, #tpu.memory_space<vmem>> -> memref<16x1536xf32, #tpu.memory_space<vmem>>
    %dma_start3A_77 = arith.constant 48 : i32
    %dma_start3A_78 = tpu.memref_slice %arg5[%dma_start3A_77] : memref<256xi32, #tpu.memory_space<vmem>> -> memref<16xi32, #tpu.memory_space<vmem>>
    %dma_start3A_79 = arith.constant 0 : i32
    %dma_start3A_80 = arith.constant 0 : i32
    %dma_start3A_81 = tpu.memref_slice %arg3[%dma_start3A_79, %dma_start3A_80] : memref<151936x1536xf32, #tpu.memory_space<hbm>> -> memref<151936x1536xf32, #tpu.memory_space<hbm>>
    %dma_start3A_82 = tpu.memref_slice %arg7[%dma_start3A_72] : memref<5x!tpu.dma_semaphore, #tpu.memory_space<semaphore_mem>> -> memref<1x!tpu.dma_semaphore, #tpu.memory_space<semaphore_mem>>
    %dma_start3A_83 = tpu.memref_squeeze %dma_start3A_82 : memref<1x!tpu.dma_semaphore, #tpu.memory_space<semaphore_mem>> -> memref<!tpu.dma_semaphore, #tpu.memory_space<semaphore_mem>>
    tpu.enqueue_indirect_dma source(%dma_start3A_81 : memref<151936x1536xf32, #tpu.memory_space<hbm>>) target(%dma_start3A_76 : memref<16x1536xf32, #tpu.memory_space<vmem>>) offsets(%dma_start3A_78 : memref<16xi32, #tpu.memory_space<vmem>>) semaphore(%dma_start3A_83 : memref<!tpu.dma_semaphore, #tpu.memory_space<semaphore_mem>>)
    %dma_start3A_84 = arith.constant 4 : i32
    %dma_start3A_85 = arith.constant 4 : i32
    %dma_start3A_86 = arith.constant 0 : i32
    %dma_start3A_87 = arith.constant 0 : i32
    %dma_start3A_88 = tpu.memref_slice %arg6[%dma_start3A_84, %dma_start3A_86, %dma_start3A_87] : memref<5x16x1536xf32, #tpu.memory_space<vmem>> -> memref<1x16x1536xf32, #tpu.memory_space<vmem>>
    %dma_start3A_89 = tpu.memref_squeeze %dma_start3A_88 : memref<1x16x1536xf32, #tpu.memory_space<vmem>> -> memref<16x1536xf32, #tpu.memory_space<vmem>>
    %dma_start3A_90 = arith.constant 64 : i32
    %dma_start3A_91 = tpu.memref_slice %arg5[%dma_start3A_90] : memref<256xi32, #tpu.memory_space<vmem>> -> memref<16xi32, #tpu.memory_space<vmem>>
    %dma_start3A_92 = arith.constant 0 : i32
    %dma_start3A_93 = arith.constant 0 : i32
    %dma_start3A_94 = tpu.memref_slice %arg3[%dma_start3A_92, %dma_start3A_93] : memref<151936x1536xf32, #tpu.memory_space<hbm>> -> memref<151936x1536xf32, #tpu.memory_space<hbm>>
    %dma_start3A_95 = tpu.memref_slice %arg7[%dma_start3A_85] : memref<5x!tpu.dma_semaphore, #tpu.memory_space<semaphore_mem>> -> memref<1x!tpu.dma_semaphore, #tpu.memory_space<semaphore_mem>>
    %dma_start3A_96 = tpu.memref_squeeze %dma_start3A_95 : memref<1x!tpu.dma_semaphore, #tpu.memory_space<semaphore_mem>> -> memref<!tpu.dma_semaphore, #tpu.memory_space<semaphore_mem>>
    tpu.enqueue_indirect_dma source(%dma_start3A_94 : memref<151936x1536xf32, #tpu.memory_space<hbm>>) target(%dma_start3A_89 : memref<16x1536xf32, #tpu.memory_space<vmem>>) offsets(%dma_start3A_91 : memref<16xi32, #tpu.memory_space<vmem>>) semaphore(%dma_start3A_96 : memref<!tpu.dma_semaphore, #tpu.memory_space<semaphore_mem>>)
    %scan3A = arith.constant 0 : i32
    %scan3A_97 = arith.constant 16 : i32
    %scan3A_98 = arith.addi %scan3A, %scan3A_97 : i32
    %scan3A_99 = arith.constant 1 : i32
    scf.for %scan3A_136 = %scan3A to %scan3A_98 step %scan3A_99  : i32 {
      %mul3A_137 = arith.constant 1 : i32
      %mul3A_138 = arith.muli %scan3A_136, %mul3A_137 : i32
      %add3A_139 = arith.constant 0 : i32
      %add3A_140 = arith.addi %add3A_139, %mul3A_138 : i32
      %rem3A_141 = arith.constant 5 : i32
      %rem3A_142 = arith.remsi %add3A_140, %rem3A_141 : i32
      %mul3A_143 = arith.constant 16 : i32
      %mul3A_144 = arith.muli %add3A_140, %mul3A_143 : i32
      %dma_wait3A_145 = arith.constant 0 : i32
      %dma_wait3A_146 = arith.constant 0 : i32
      %dma_wait3A_147 = tpu.memref_slice %arg6[%rem3A_142, %dma_wait3A_145, %dma_wait3A_146] : memref<5x16x1536xf32, #tpu.memory_space<vmem>> -> memref<1x16x1536xf32, #tpu.memory_space<vmem>>
      %dma_wait3A_148 = tpu.memref_squeeze %dma_wait3A_147 : memref<1x16x1536xf32, #tpu.memory_space<vmem>> -> memref<16x1536xf32, #tpu.memory_space<vmem>>
      %dma_wait3A_149 = tpu.memref_slice %arg5[%mul3A_144] : memref<256xi32, #tpu.memory_space<vmem>> -> memref<16xi32, #tpu.memory_space<vmem>>
      %dma_wait3A_150 = arith.constant 0 : i32
      %dma_wait3A_151 = arith.constant 0 : i32
      %dma_wait3A_152 = tpu.memref_slice %arg3[%dma_wait3A_150, %dma_wait3A_151] : memref<151936x1536xf32, #tpu.memory_space<hbm>> -> memref<151936x1536xf32, #tpu.memory_space<hbm>>
      %dma_wait3A_153 = tpu.memref_slice %arg7[%rem3A_142] : memref<5x!tpu.dma_semaphore, #tpu.memory_space<semaphore_mem>> -> memref<1x!tpu.dma_semaphore, #tpu.memory_space<semaphore_mem>>
      %dma_wait3A_154 = tpu.memref_squeeze %dma_wait3A_153 : memref<1x!tpu.dma_semaphore, #tpu.memory_space<semaphore_mem>> -> memref<!tpu.dma_semaphore, #tpu.memory_space<semaphore_mem>>
      tpu.wait_indirect_dma semaphore(%dma_wait3A_154 : memref<!tpu.dma_semaphore, #tpu.memory_space<semaphore_mem>>) src(%dma_wait3A_152 : memref<151936x1536xf32, #tpu.memory_space<hbm>>) dst(%dma_wait3A_148 : memref<16x1536xf32, #tpu.memory_space<vmem>>)
      %mul3A_155 = arith.constant 16 : i32
      %mul3A_156 = arith.muli %add3A_140, %mul3A_155 : i32
      %add3A_157 = arith.addi %mul3A_2, %mul3A_156 : i32
      %dma_start3A_158 = arith.constant 0 : i32
      %dma_start3A_159 = arith.constant 0 : i32
      %dma_start3A_160 = tpu.memref_slice %arg6[%rem3A_142, %dma_start3A_158, %dma_start3A_159] : memref<5x16x1536xf32, #tpu.memory_space<vmem>> -> memref<1x16x1536xf32, #tpu.memory_space<vmem>>
      %dma_start3A_161 = tpu.memref_squeeze %dma_start3A_160 : memref<1x16x1536xf32, #tpu.memory_space<vmem>> -> memref<16x1536xf32, #tpu.memory_space<vmem>>
      %dma_start3A_162 = arith.constant 0 : i32
      %dma_start3A_163 = tpu.memref_slice %arg4[%add3A_157, %dma_start3A_162] : memref<8192x1536xf32, #tpu.memory_space<hbm>> -> memref<16x1536xf32, #tpu.memory_space<hbm>>
      %dma_start3A_164 = tpu.memref_slice %arg8[%rem3A_142] : memref<5x!tpu.dma_semaphore, #tpu.memory_space<semaphore_mem>> -> memref<1x!tpu.dma_semaphore, #tpu.memory_space<semaphore_mem>>
      %dma_start3A_165 = tpu.memref_squeeze %dma_start3A_164 : memref<1x!tpu.dma_semaphore, #tpu.memory_space<semaphore_mem>> -> memref<!tpu.dma_semaphore, #tpu.memory_space<semaphore_mem>>
      %dma_start3A_166 = arith.constant 0 : i32
      %dma_start3A_167 = tpu.memref_slice %arg4[%add3A_157, %dma_start3A_166] : memref<8192x1536xf32, #tpu.memory_space<hbm>> -> memref<16x1536xf32, #tpu.memory_space<hbm>>
      %dma_start3A_168 = arith.constant 0 : i32
      %dma_start3A_169 = arith.constant 0 : i32
      %dma_start3A_170 = tpu.memref_slice %arg6[%rem3A_142, %dma_start3A_168, %dma_start3A_169] : memref<5x16x1536xf32, #tpu.memory_space<vmem>> -> memref<1x16x1536xf32, #tpu.memory_space<vmem>>
      %dma_start3A_171 = tpu.memref_squeeze %dma_start3A_170 : memref<1x16x1536xf32, #tpu.memory_space<vmem>> -> memref<16x1536xf32, #tpu.memory_space<vmem>>
      tpu.enqueue_dma source(%dma_start3A_171 : memref<16x1536xf32, #tpu.memory_space<vmem>>) target(%dma_start3A_167 : memref<16x1536xf32, #tpu.memory_space<hbm>>) target_semaphore(%dma_start3A_165 : memref<!tpu.dma_semaphore, #tpu.memory_space<semaphore_mem>>)
      %sub3A_172 = arith.constant 2 : i32
      %sub3A_173 = arith.subi %add3A_140, %sub3A_172 : i32
      %ge3A = arith.constant 0 : i32
      %ge3A_174 = arith.cmpi sge, %sub3A_173, %ge3A : i32
      %convert_element_type3A = arith.extui %ge3A_174 : i1 to i32
      %cond3A = arith.constant 0 : i32
      %cond3A_175 = arith.cmpi ne, %convert_element_type3A, %cond3A : i32
      scf.if %cond3A_175 {
        %rem3A_176 = arith.constant 5 : i32
        %rem3A_177 = arith.remsi %sub3A_173, %rem3A_176 : i32
        %mul3A_178 = arith.constant 16 : i32
        %mul3A_179 = arith.muli %sub3A_173, %mul3A_178 : i32
        %add3A_180 = arith.addi %mul3A_2, %mul3A_179 : i32
        %dma_wait3A_181 = arith.constant 0 : i32
        %dma_wait3A_182 = arith.constant 0 : i32
        %dma_wait3A_183 = tpu.memref_slice %arg6[%rem3A_177, %dma_wait3A_181, %dma_wait3A_182] : memref<5x16x1536xf32, #tpu.memory_space<vmem>> -> memref<1x16x1536xf32, #tpu.memory_space<vmem>>
        %dma_wait3A_184 = tpu.memref_squeeze %dma_wait3A_183 : memref<1x16x1536xf32, #tpu.memory_space<vmem>> -> memref<16x1536xf32, #tpu.memory_space<vmem>>
        %dma_wait3A_185 = arith.constant 0 : i32
        %dma_wait3A_186 = tpu.memref_slice %arg4[%add3A_180, %dma_wait3A_185] : memref<8192x1536xf32, #tpu.memory_space<hbm>> -> memref<16x1536xf32, #tpu.memory_space<hbm>>
        %dma_wait3A_187 = tpu.memref_slice %arg8[%rem3A_177] : memref<5x!tpu.dma_semaphore, #tpu.memory_space<semaphore_mem>> -> memref<1x!tpu.dma_semaphore, #tpu.memory_space<semaphore_mem>>
        %dma_wait3A_188 = tpu.memref_squeeze %dma_wait3A_187 : memref<1x!tpu.dma_semaphore, #tpu.memory_space<semaphore_mem>> -> memref<!tpu.dma_semaphore, #tpu.memory_space<semaphore_mem>>
        %dma_wait3A_189 = arith.constant 0 : i32
        %dma_wait3A_190 = tpu.memref_slice %arg4[%add3A_180, %dma_wait3A_189] : memref<8192x1536xf32, #tpu.memory_space<hbm>> -> memref<16x1536xf32, #tpu.memory_space<hbm>>
        %dma_wait3A_191 = arith.constant 0 : i32
        %dma_wait3A_192 = arith.constant 0 : i32
        %dma_wait3A_193 = tpu.memref_slice %arg6[%rem3A_177, %dma_wait3A_191, %dma_wait3A_192] : memref<5x16x1536xf32, #tpu.memory_space<vmem>> -> memref<1x16x1536xf32, #tpu.memory_space<vmem>>
        %dma_wait3A_194 = tpu.memref_squeeze %dma_wait3A_193 : memref<1x16x1536xf32, #tpu.memory_space<vmem>> -> memref<16x1536xf32, #tpu.memory_space<vmem>>
        tpu.wait_dma2 semaphore(%dma_wait3A_188 : memref<!tpu.dma_semaphore, #tpu.memory_space<semaphore_mem>>) src(%dma_wait3A_194 : memref<16x1536xf32, #tpu.memory_space<vmem>>) dst(%dma_wait3A_190 : memref<16x1536xf32, #tpu.memory_space<hbm>>)
        %add3A_195 = arith.constant 5 : i32
        %add3A_196 = arith.addi %sub3A_173, %add3A_195 : i32
        %lt3A_197 = arith.constant 16 : i32
        %lt3A_198 = arith.cmpi slt, %add3A_196, %lt3A_197 : i32
        %convert_element_type3A_199 = arith.extui %lt3A_198 : i1 to i32
        %cond3A_200 = arith.constant 0 : i32
        %cond3A_201 = arith.cmpi ne, %convert_element_type3A_199, %cond3A_200 : i32
        scf.if %cond3A_201 {
          %add3A_202 = arith.constant 5 : i32
          %add3A_203 = arith.addi %sub3A_173, %add3A_202 : i32
          %mul3A_204 = arith.constant 16 : i32
          %mul3A_205 = arith.muli %add3A_203, %mul3A_204 : i32
          %dma_start3A_206 = arith.constant 0 : i32
          %dma_start3A_207 = arith.constant 0 : i32
          %dma_start3A_208 = tpu.memref_slice %arg6[%rem3A_177, %dma_start3A_206, %dma_start3A_207] : memref<5x16x1536xf32, #tpu.memory_space<vmem>> -> memref<1x16x1536xf32, #tpu.memory_space<vmem>>
          %dma_start3A_209 = tpu.memref_squeeze %dma_start3A_208 : memref<1x16x1536xf32, #tpu.memory_space<vmem>> -> memref<16x1536xf32, #tpu.memory_space<vmem>>
          %dma_start3A_210 = tpu.memref_slice %arg5[%mul3A_205] : memref<256xi32, #tpu.memory_space<vmem>> -> memref<16xi32, #tpu.memory_space<vmem>>
          %dma_start3A_211 = arith.constant 0 : i32
          %dma_start3A_212 = arith.constant 0 : i32
          %dma_start3A_213 = tpu.memref_slice %arg3[%dma_start3A_211, %dma_start3A_212] : memref<151936x1536xf32, #tpu.memory_space<hbm>> -> memref<151936x1536xf32, #tpu.memory_space<hbm>>
          %dma_start3A_214 = tpu.memref_slice %arg7[%rem3A_177] : memref<5x!tpu.dma_semaphore, #tpu.memory_space<semaphore_mem>> -> memref<1x!tpu.dma_semaphore, #tpu.memory_space<semaphore_mem>>
          %dma_start3A_215 = tpu.memref_squeeze %dma_start3A_214 : memref<1x!tpu.dma_semaphore, #tpu.memory_space<semaphore_mem>> -> memref<!tpu.dma_semaphore, #tpu.memory_space<semaphore_mem>>
          tpu.enqueue_indirect_dma source(%dma_start3A_213 : memref<151936x1536xf32, #tpu.memory_space<hbm>>) target(%dma_start3A_209 : memref<16x1536xf32, #tpu.memory_space<vmem>>) offsets(%dma_start3A_210 : memref<16xi32, #tpu.memory_space<vmem>>) semaphore(%dma_start3A_215 : memref<!tpu.dma_semaphore, #tpu.memory_space<semaphore_mem>>)
        } else {
        }
      } else {
      }
    }
    %scan3A_100 = arith.constant 16 : i32
    %add3A_101 = arith.constant 224 : i32
    %add3A_102 = arith.addi %mul3A_2, %add3A_101 : i32
    %dma_wait3A = arith.constant 4 : i32
    %dma_wait3A_103 = arith.constant 4 : i32
    %dma_wait3A_104 = arith.constant 0 : i32
    %dma_wait3A_105 = arith.constant 0 : i32
    %dma_wait3A_106 = tpu.memref_slice %arg6[%dma_wait3A, %dma_wait3A_104, %dma_wait3A_105] : memref<5x16x1536xf32, #tpu.memory_space<vmem>> -> memref<1x16x1536xf32, #tpu.memory_space<vmem>>
    %dma_wait3A_107 = tpu.memref_squeeze %dma_wait3A_106 : memref<1x16x1536xf32, #tpu.memory_space<vmem>> -> memref<16x1536xf32, #tpu.memory_space<vmem>>
    %dma_wait3A_108 = arith.constant 0 : i32
    %dma_wait3A_109 = tpu.memref_slice %arg4[%add3A_102, %dma_wait3A_108] : memref<8192x1536xf32, #tpu.memory_space<hbm>> -> memref<16x1536xf32, #tpu.memory_space<hbm>>
    %dma_wait3A_110 = tpu.memref_slice %arg8[%dma_wait3A_103] : memref<5x!tpu.dma_semaphore, #tpu.memory_space<semaphore_mem>> -> memref<1x!tpu.dma_semaphore, #tpu.memory_space<semaphore_mem>>
    %dma_wait3A_111 = tpu.memref_squeeze %dma_wait3A_110 : memref<1x!tpu.dma_semaphore, #tpu.memory_space<semaphore_mem>> -> memref<!tpu.dma_semaphore, #tpu.memory_space<semaphore_mem>>
    %dma_wait3A_112 = arith.constant 0 : i32
    %dma_wait3A_113 = tpu.memref_slice %arg4[%add3A_102, %dma_wait3A_112] : memref<8192x1536xf32, #tpu.memory_space<hbm>> -> memref<16x1536xf32, #tpu.memory_space<hbm>>
    %dma_wait3A_114 = arith.constant 0 : i32
    %dma_wait3A_115 = arith.constant 0 : i32
    %dma_wait3A_116 = tpu.memref_slice %arg6[%dma_wait3A, %dma_wait3A_114, %dma_wait3A_115] : memref<5x16x1536xf32, #tpu.memory_space<vmem>> -> memref<1x16x1536xf32, #tpu.memory_space<vmem>>
    %dma_wait3A_117 = tpu.memref_squeeze %dma_wait3A_116 : memref<1x16x1536xf32, #tpu.memory_space<vmem>> -> memref<16x1536xf32, #tpu.memory_space<vmem>>
    tpu.wait_dma2 semaphore(%dma_wait3A_111 : memref<!tpu.dma_semaphore, #tpu.memory_space<semaphore_mem>>) src(%dma_wait3A_117 : memref<16x1536xf32, #tpu.memory_space<vmem>>) dst(%dma_wait3A_113 : memref<16x1536xf32, #tpu.memory_space<hbm>>)
    %add3A_118 = arith.constant 240 : i32
    %add3A_119 = arith.addi %mul3A_2, %add3A_118 : i32
    %dma_wait3A_120 = arith.constant 0 : i32
    %dma_wait3A_121 = arith.constant 0 : i32
    %dma_wait3A_122 = arith.constant 0 : i32
    %dma_wait3A_123 = arith.constant 0 : i32
    %dma_wait3A_124 = tpu.memref_slice %arg6[%dma_wait3A_120, %dma_wait3A_122, %dma_wait3A_123] : memref<5x16x1536xf32, #tpu.memory_space<vmem>> -> memref<1x16x1536xf32, #tpu.memory_space<vmem>>
    %dma_wait3A_125 = tpu.memref_squeeze %dma_wait3A_124 : memref<1x16x1536xf32, #tpu.memory_space<vmem>> -> memref<16x1536xf32, #tpu.memory_space<vmem>>
    %dma_wait3A_126 = arith.constant 0 : i32
    %dma_wait3A_127 = tpu.memref_slice %arg4[%add3A_119, %dma_wait3A_126] : memref<8192x1536xf32, #tpu.memory_space<hbm>> -> memref<16x1536xf32, #tpu.memory_space<hbm>>
    %dma_wait3A_128 = tpu.memref_slice %arg8[%dma_wait3A_121] : memref<5x!tpu.dma_semaphore, #tpu.memory_space<semaphore_mem>> -> memref<1x!tpu.dma_semaphore, #tpu.memory_space<semaphore_mem>>
    %dma_wait3A_129 = tpu.memref_squeeze %dma_wait3A_128 : memref<1x!tpu.dma_semaphore, #tpu.memory_space<semaphore_mem>> -> memref<!tpu.dma_semaphore, #tpu.memory_space<semaphore_mem>>
    %dma_wait3A_130 = arith.constant 0 : i32
    %dma_wait3A_131 = tpu.memref_slice %arg4[%add3A_119, %dma_wait3A_130] : memref<8192x1536xf32, #tpu.memory_space<hbm>> -> memref<16x1536xf32, #tpu.memory_space<hbm>>
    %dma_wait3A_132 = arith.constant 0 : i32
    %dma_wait3A_133 = arith.constant 0 : i32
    %dma_wait3A_134 = tpu.memref_slice %arg6[%dma_wait3A_120, %dma_wait3A_132, %dma_wait3A_133] : memref<5x16x1536xf32, #tpu.memory_space<vmem>> -> memref<1x16x1536xf32, #tpu.memory_space<vmem>>
    %dma_wait3A_135 = tpu.memref_squeeze %dma_wait3A_134 : memref<1x16x1536xf32, #tpu.memory_space<vmem>> -> memref<16x1536xf32, #tpu.memory_space<vmem>>
    tpu.wait_dma2 semaphore(%dma_wait3A_129 : memref<!tpu.dma_semaphore, #tpu.memory_space<semaphore_mem>>) src(%dma_wait3A_135 : memref<16x1536xf32, #tpu.memory_space<vmem>>) dst(%dma_wait3A_131 : memref<16x1536xf32, #tpu.memory_space<hbm>>)
    return
  }
}

</mosaic_0001>

<sc_bundles>
// kernel: kernel.3.cloned.1.call-start
scs
__scs_entry_jumppad:
0x0: {  	(pc) =	sbr.rel $0x88, $3  }
0x1: {  	(tag) =	ssettag $0x0;
	lr =	simm.s32 $0x1  }
0x2: {  	[smem:$0x3F9F] =	sst lr;
	_ =	strace $0xD0000000  }
0x3: {  	_ = 	snop  }
0x4: {  	_ = 	snop  }
0x5: {  	_ = 	snop  }
0x6: {  	_ = 	snop  }
0x7: {  	_ = 	snop  }
__scs_overlays_trampoline_lowered:
0x8: {  	[smem:$0x3FAE] =	sst s0  }
0x9: {  	[smem:$0x3FAF] =	sst s1  }
0xa: {  	[smem:$0x3FB0] =	sst s2  }
0xb: {  	[smem:$0x3FB1] =	sst s3  }
0xc: {  	[smem:$0x3FB2] =	sst s4  }
0xd: {  	[smem:$0x3FB3] =	sst s5  }
0xe: {  	[smem:$0x3FB4] =	sst s6  }
0xf: {  	[smem:$0x3FB5] =	sst s7  }
0x10: {  	[smem:$0x3FB6] =	sst s8  }
0x11: {  	[smem:$0x3FB7] =	sst s9;
	s0 =	simm.s32 @!p0 $0x0  }
0x12: {  	s1 =	sld [smem:$0x3F9D];
	s0 =	simm.s32 @p0 $0x1  }
0x13: {  	[smem:$0x3FB8] =	sst s0;
	s0 =	simm.s32 @!p1 $0x0  }
0x14: {  	s2 =	sld [smem:$0x3F9C];
	s0 =	simm.s32 @p1 $0x1  }
0x15: {  	[smem:$0x3FB9] =	sst s0;
	s0 =	simm.s32 @!p2 $0x0  }
0x16: {  	s3 =	sld [smem:$0x3FDB];
	s0 =	simm.s32 @p2 $0x1  }
0x17: {  	s4 =	simm.s32 $0x1BF5;
	[smem:$0x3FBB] =	sst s0  }
0x18: {  	s0 =	sld [smem:$0x3F9E];
	_ =	swait.ge [sflag:s4], $0x0  }
0x19: {  	s7 =	sld [smem:$0x3F9F]  }
0x1a: {  	s8 =	sadd.s32 $0xFFFFE003, lr  }
0x1b: {  	s9 =	sadd.s32 $0xFFFFFEF7, lr;
	s5 =	simm.s32 $0xFFFFFFFF;
	p2 =	slt.u32 s8, $0xFFFFF086  }
0x1c: {  	p1 =	slt.u32 s9, $0xF7A;
	s5 =	simm.s32 @!p2 $0x0  }
0x1d: {  	s5 =	simm.s32 @p1 $0x1;
	p0 =	seq.s32 s7, s2  }
0x1e: {  	s7 =	smul.u32 @!p0 $0xF7A, s2;
	p2 =	seq.s32 @!p0 s5, $0x0  }
0x1f: {  	s9 =	smul.u32 $0xF7A, s1;
	s8 =	simm.s32 @!p0 $0x1BF5;
	p2 =	por !p2, p0  }
0x20: {  	[sflag:s8] =	ssyncset.s32 @!p0 $0xFFFFF086;
	s6 =	sadd.s32 @!p0 s3, s7;
	s7 =	simm.s32 @!p0 $0x108  }
0x21: {  	s3 =	sadd.s32 s3, s9;
	s6 =	sadd.s32 @!p0 $0x88, s6;
	s7 =	simm.s32 @p2 $0x1082  }
0x22: {  	[simem:s7], [sflag:s8] =	dma.local @!p0 [hbm:s6], $0xF7A  }
0x23: {  	s9 =	sor.u32 $0xD0000000, s2;
	s6 =	simm.s32 $0x108;
	_ =	swait.ge @!p0 [sflag:s8], $0x0  }
0x24: {  	s3 =	sadd.s32 $0x88, s3;
	s6 =	simm.s32 @!p1 $0x1082;
	[sflag:s4] =	ssyncset.s32 $0xFFFFF086  }
0x25: {  	[simem:s6], [sflag:s4] =	dma.local [hbm:s3], $0xF7A  }
0x26: {  	[smem:$0x3F9F] =	sst s1;
	(tag) =	ssettag s2;
	_ =	strace s9  }
0x27: {  	s1 =	sld [smem:$0x3FAF]  }
0x28: {  	s2 =	sld [smem:$0x3FB0]  }
0x29: {  	s4 =	sld [smem:$0x3FB2]  }
0x2a: {  	p0 =	seq.s32 s5, $0x0;
	s5 =	sld [smem:$0x3FB3]  }
0x2b: {  	s6 =	sld [smem:$0x3FB4]  }
0x2c: {  	s7 =	sld [smem:$0x3FB5]  }
0x2d: {  	s3 =	simm.s32 $0x108;
	s8 =	sld [smem:$0x3FB6]  }
0x2e: {  	s3 =	simm.s32 @!p0 $0x1082;
	s9 =	sld [smem:$0x3FB7]  }
0x2f: {  	lr =	sadd.s32 s0, s3;
	s0 =	sld [smem:$0x3FAE]  }
0x30: {  	s3 =	sld [smem:$0x3FB1]  }
0x31: {  	[smem:$0x3FBA] =	sst s10  }
0x32: {  	s10 =	sld [smem:$0x3FB8];
	_ =	sdelay $0x3  }
0x33: {  	p0 =	seq.s32 s10, $0x1;
	s10 =	sld [smem:$0x3FBA];
	_ =	sdelay $0x3  }
0x34: {  	[smem:$0x3FBA] =	sst s10  }
0x35: {  	s10 =	sld [smem:$0x3FB9];
	_ =	sdelay $0x3  }
0x36: {  	p1 =	seq.s32 s10, $0x1;
	s10 =	sld [smem:$0x3FBA];
	_ =	sdelay $0x3  }
0x37: {  	[smem:$0x3FBA] =	sst s10  }
0x38: {  	s10 =	sld [smem:$0x3FBB]  }
0x39: {  	_ = 	snop;
	(pc) =	sbr.ind lr, $3  }
0x3a: {  	_ = 	snop  }
0x3b: {  	_ = 	snop  }
0x3c: {  	p2 =	seq.s32 s10, $0x1;
	s10 =	sld [smem:$0x3FBA]  }
0x3d: {  	_ =	shalt  }
0x3e: {  	_ =	shalt  }
0x3f: {  	_ =	shalt  }
0x40: {  	_ =	shalt  }
0x41: {  	_ =	shalt  }
0x42: {  	_ =	shalt  }
0x43: {  	_ =	shalt  }
0x44: {  	_ =	shalt  }
0x45: {  	_ =	shalt  }
0x46: {  	_ =	shalt  }
0x47: {  	_ =	shalt  }
0x48: {  	_ =	shalt  }
0x49: {  	_ =	shalt  }
0x4a: {  	_ =	shalt  }
0x4b: {  	_ =	shalt  }
0x4c: {  	_ =	shalt  }
0x4d: {  	_ =	shalt  }
0x4e: {  	_ =	shalt  }
0x4f: {  	_ =	shalt  }
0x50: {  	_ =	shalt  }
0x51: {  	_ =	shalt  }
0x52: {  	_ =	shalt  }
0x53: {  	_ =	shalt  }
0x54: {  	_ =	shalt  }
0x55: {  	_ =	shalt  }
0x56: {  	_ =	shalt  }
0x57: {  	_ =	shalt  }
0x58: {  	_ =	shalt  }
0x59: {  	_ =	shalt  }
0x5a: {  	_ =	shalt  }
0x5b: {  	_ =	shalt  }
0x5c: {  	_ =	shalt  }
0x5d: {  	_ =	shalt  }
0x5e: {  	_ =	shalt  }
0x5f: {  	_ =	shalt  }
0x60: {  	_ =	shalt  }
0x61: {  	_ =	shalt  }
0x62: {  	_ =	shalt  }
0x63: {  	_ =	shalt  }
0x64: {  	_ =	shalt  }
0x65: {  	_ =	shalt  }
0x66: {  	_ =	shalt  }
0x67: {  	_ =	shalt  }
0x68: {  	_ =	shalt  }
0x69: {  	_ =	shalt  }
0x6a: {  	_ =	shalt  }
0x6b: {  	_ =	shalt  }
0x6c: {  	_ =	shalt  }
0x6d: {  	_ =	shalt  }
0x6e: {  	_ =	shalt  }
0x6f: {  	_ =	shalt  }
0x70: {  	_ =	shalt  }
0x71: {  	_ =	shalt  }
0x72: {  	_ =	shalt  }
0x73: {  	_ =	shalt  }
0x74: {  	_ =	shalt  }
0x75: {  	_ =	shalt  }
0x76: {  	_ =	shalt  }
0x77: {  	_ =	shalt  }
0x78: {  	_ =	shalt  }
0x79: {  	_ =	shalt  }
0x7a: {  	_ =	shalt  }
0x7b: {  	_ =	shalt  }
0x7c: {  	_ =	shalt  }
0x7d: {  	_ =	shalt  }
0x7e: {  	_ =	shalt  }
0x7f: {  	_ =	shalt  }
0x80: {  	_ =	shalt  }
0x81: {  	_ =	shalt  }
0x82: {  	_ =	shalt  }
0x83: {  	_ =	shalt  }
0x84: {  	_ =	shalt  }
0x85: {  	_ =	shalt  }
0x86: {  	_ =	shalt  }
0x87: {  	_ =	shalt  }
.Lfunc_end0:
.L_simem_size_0:
called_computation_lowered:
.L_overlay_start_0:
0x88: {  	s2 =	sld [smem:$0x3FD9]  }
0x89: {  	s3 =	sld [smem:$0x3FFE];
	_ =	sdelay $0x1  }
0x8a: {  	s1 =	srdreg.scid  }
0x8b: {  	s0 =	sand.u32 $0x1, s1  }
0x8c: {  	s18 =	sshll.u32 s0, $0xA;
	s2 =	sadd.s32 s3, s2  }
0x8d: {  	s2 =	sadd.s32 s2, s18  }
0x8e: {  	[smem:$0x3FC6] =	sst s2  }
0x8f: {  	_ = 	snop  }
0x90: {  	s2 =	sld [smem:$0x3FC9]  }
0x91: {  	s19 =	sld [smem:$0x3FC8]  }
0x92: {  	s4 =	sld [smem:$0x3FD0];
	(tm) =	ssettm $0x1  }
0x93: {  	s5 =	sld [smem:$0x3FFB];
	_ =	sdelay $0x3  }
0x94: {  	_ =	strace s5  }
0x95: {  	s5 =	sld [smem:$0x3FFC];
	_ =	sdelay $0x3  }
0x96: {  	_ =	strace s5  }
0x97: {  	s5 =	sld [smem:$0x3FFD];
	_ =	sdelay $0x3  }
0x98: {  	_ =	strace s5  }
0x99: {  	_ =	strace $0x8FFFFFFF  }
0x9a: {  	s20 =	sld [smem:$0x3FDB];
	_ =	sdelay $0x1  }
0x9b: {  	s6 =	simm.s32 $_scs_section_size  }
0x9c: {  	s7 =	simm.s32 $_size__tile_overlayer_lowered;
	s8 =	simm.s32 $_tile_overlayer_lowered  }
0x9d: {  	s23 =	simm.s32 $0x1BFF;
	s22 =	sshll.u32 s8, $0x1;
	s5 =	sadd.s32 s6, s20  }
0x9e: {  	s9 =	simm.s32 $0x0;
	s21 =	sshll.u32 s7, $0x1;
	s7 =	sadd.s32 s22, s5  }
0x9f: {  	[timem:s9], [sflag:s23] =	dma.local [hbm:s7], s21  }
0xa0: {  	_ =	swait.ge [sflag:s23], s21  }
0xa1: {  	s6 =	ssub.s32 $0x0, s21;
	[sflag:s23] =	ssyncset.done $0x0  }
0xa2: {  	[sflag:s23] =	ssyncadd.s32 s6;
	_ =	sdelay $0x1  }
0xa3: {  	s24 =	simm.s32 $0x1B8B  }
0xa4: {  	_ =	swait.ge [sflag:s24], $0x1  }
0xa5: {  	[sflag:s24] =	ssyncset.done $0x0  }
0xa6: {  	s25 =	simm.s32 $0x1B8E;
	[sflag:s24] =	ssyncadd.s32 $0xFFFFFFFF  }
0xa7: {  	s26 =	simm.s32 $execute0_lowered;
	[smem:$0x3FD2] =	sst s25  }
0xa8: {  	s6 =	sshll.u32 s26, $0x1;
	_ =	strace $0x80000046;
	[dreg:$0x1] =	wrdreg $0xFFFFFFFF  }
0xa9: {  	s28 =	simm.s32 $_size_execute0_lowered;
	s5 =	sadd.s32 s5, s6;
	[dreg:$0x0] =	wrdreg $0x0  }
0xaa: {  	s6 =	sshll.u32 s28, $0x1;
	[dreg:$0x2] =	wrdreg s5  }
0xab: {  	[dreg:$0x3] =	wrdreg s6  }
0xac: {  	[dreg:$0x4] =	wrdreg $0xC0  }
0xad: {  	_ =	task [dreg:s9], $0x5FFFF  }
0xae: {  	[dreg:$0x1] =	wrdreg $0xFFFFFFFF  }
0xaf: {  	[dreg:$0x0] =	wrdreg $0x60  }
0xb0: {  	[dreg:$0x2] =	wrdreg s2  }
0xb1: {  	[dreg:$0x3] =	wrdreg s19  }
0xb2: {  	[dreg:$0x4] =	wrdreg s4  }
0xb3: {  	[dreg:$0x5] =	wrdreg $0x9  }
0xb4: {  	_ =	task.clear_ibuf [dreg:s9], $0x6FFFF;
	_ =	strace $0x90000046  }
0xb5: {  	s29 =	simm.s32 $0x9;
	_ =	strace $0x80000048  }
0xb6: {  	_ =	swait.ge [sflag:s29], $0x1  }
0xb7: {  	[sflag:s29] =	ssyncadd.s32 $0xFFFFFFFF  }
0xb8: {  	_ =	strace $0x90000048  }
0xb9: {  	_ =	sfence  }
0xba: {  	s30 =	sld [smem:$0x0];
	_ =	sdelay $0x2  }
0xbb: {  	s31 =	sshll.u32 s1, $0xD;
	s1 =	sshrl.u32 s1, $0x2  }
0xbc: {  	s3 =	sand.u32 $0x4000, s31;
	s1 =	sadd.s32 s1, s30  }
0xbd: {  	s0 =	sor.u32 s3, s0;
	s1 =	sshll.u32 s1, $0x11  }
0xbe: {  	s0 =	sor.u32 s1, s0  }
0xbf: {  	s0 =	sadd.s32 $0x8F2B, s0  }
0xc0: {  	[sflag:s0] =	ssyncadd.remote.s32 $0x1  }
0xc1: {  	_ =	sfence.sel $0xFFFF  }
0xc2: {  	[dreg:$0x0] =	wrdreg $0xFFFFFFFF;
	(pc) =	sbr.abs _section_cstart, $3  }
0xc3: {  	[dreg:$0x1] =	wrdreg $0xFFFFFFFF  }
0xc4: {  	_ =	task.clear_ibuf [dreg:s9], $0x2FFFF;
	_ =	strace $0x9FFFFFFF  }
0xc5: {  	(tm) =	ssettm $0x7FFFFFFF  }
tec
execute0_lowered:
.L_overlay_start_1:
0x0: {  	(tag) =	ssettag $0x1  }
0x1: {  	s0 =	rddreg [dreg:$0x0];
	s1 =	srdreg.scid  }
0x2: {  	s2 =	rddreg [dreg:$0x1];
	s6 =	stileid.u32  }
0x3: {  	s11 =	rddreg [dreg:$0x2];
	s14 =	simm.s32 $0xB;
	s12 =	simm.s32 $0x1D100  }
0x4: {  	s13 =	simm.s32 $0x1D900;
	s15 =	simm.s32 $0xA;
	s16 =	simm.s32 $0x6  }
0x5: {  	s17 =	simm.s32 $0x0;
	s1 =	sand.u32 $0x1, s1;
	s3 =	sshll.u32 s6, $0x9  }
0x6: {  	s6 =	sshll.u32 s6, $0x5;
	s7 =	sadd.s32 $0x300, s2;
	s8 =	sadd.s32 $0x400, s2  }
0x7: {  	s9 =	sadd.s32 $0x500, s2;
	s4 =	sshll.u32 s1, $0x8;
	s1 =	ssub.s32 $0x2, s1  }
0x8: {  	s4 =	sor.u32 s4, s3;
	s3 =	simm.s32 $0x0;
	s29 =	sshrl.u32 s1, $0x1  }
0x9: {  	s5 =	sshll.u32 s4, $0x2;
	[smem:$0x7FF] =	sst s3;
	s30 =	sshrl.u32 s4, $0x3  }
0xa: {  	s1 =	ssub.s32 s1, s29;
	s5 =	sor.u32 s6, s5;
	s31 =	smul.u32 $0x600, s30  }
0xb: {  	v2 =	vlaneseq.u32;
	_ =	strace $0x80000047;
	s6 =	sadd.s32 $0x200, s2;
	s5 =	sand.u32 $0x1D80, s5  }
0xc: {  	vm0 =	vmmov $0xffff;
	v1 =	vshrl.u32 v2, $0x3;
	s10 =	smax.u32 s1, $0x1;
	s5 =	sshrl.u32 s5, $0x3;
	s24 =	sadd.s32 s31, s11  }
0xd: {  	v0 =	vand.u32 $0x7, v2;
	v2 =	vor.u32 $0x8, v2;
	v1 =	vmul.u32 $0x8, v1;
	s4 =	sadd.s32 s0, s5;
	s5 =	sadd.s32 $0x100, s2;
	s0 =	simm.s32 $0x1C900  }
.LBB2_1:
0xe: {  	s1 =	simm.s32 $0x80;
	s11 =	simm.s32 $0x200  }
0xf: {  	[tilespmem:s3], [sflag:$0xB] =	stream.strided.gather [hbm4b:s4+s1], $0x100, s11, s1, $0x38;
	[tilespmem:$0x1E100] =	vst v63  }
0x10: {  	_ =	swait.ge [sflag:s14], $0x100  }
0x11: {  	[sflag:s14] =	ssyncset.done $0x0  }
0x12: {  	[sflag:s14] =	ssyncadd.s32 $0xFFFFFF00  }
0x13: {  	v3 =	vld [tilespmem:$0x0];
	_ =	sdelay $0x4  }
0x14: {  	v4 =	vshrl.u32 v3, $0x3  }
0x15: {  	v4 =	vmul.u32 $0x60, v4  }
0x16: {  	v3 =	vand.u32 $0x7, v3  }
0x17: {  	v3 =	vor.u32 v3, v4  }
0x18: {  	v4 =	vperm.xlane v3, v0;
	_ =	sdelay $0x1  }
0x19: {  	v4 =	vadd.s32 v1, v4;
	_ =	sdelay $0x3  }
0x1a: {  	s25 =	simm.s32 $0x100  }
0x1b: {  	[tilespmem:s25], [sflag:$0x1] =	stream.indirect_vreg.gather [hbm4b:s2+s3], $0x80, v4, vm0, $0xb8;
	[tilespmem:$0x1E100] =	vst v63  }
0x1c: {  	s26 =	simm.s32 $0x900  }
0x1d: {  	[tilespmem:s26], [sflag:$0x1] =	stream.indirect_vreg.gather [hbm4b:s5+s3], $0x80, v4, vm0, $0xb8;
	[tilespmem:$0x1E100] =	vst v63  }
0x1e: {  	s30 =	simm.s32 $0x1100  }
0x1f: {  	[tilespmem:s30], [sflag:$0x1] =	stream.indirect_vreg.gather [hbm4b:s6+s3], $0x80, v4, vm0, $0xb8;
	[tilespmem:$0x1E100] =	vst v63  }
0x20: {  	s31 =	simm.s32 $0x1900;
	v3 =	vperm.xlane v3, v2  }
0x21: {  	[tilespmem:s31], [sflag:$0x1] =	stream.indirect_vreg.gather [hbm4b:s7+s3], $0x80, v4, vm0, $0xb8;
	[tilespmem:$0x1E100] =	vst v63  }
0x22: {  	s11 =	simm.s32 $0x2100;
	v3 =	vadd.s32 v1, v3  }
0x23: {  	[tilespmem:s11], [sflag:$0x1] =	stream.indirect_vreg.gather [hbm4b:s8+s3], $0x80, v4, vm0, $0xb8;
	[tilespmem:$0x1E100] =	vst v63  }
0x24: {  	s18 =	simm.s32 $0x2900  }
0x25: {  	[tilespmem:s18], [sflag:$0x1] =	stream.indirect_vreg.gather [hbm4b:s9+s3], $0x80, v4, vm0, $0xb8;
	[tilespmem:$0x1E100] =	vst v63  }
0x26: {  	s19 =	simm.s32 $0x3100  }
0x27: {  	[tilespmem:s19], [sflag:$0x1] =	stream.indirect_vreg.gather [hbm4b:s2+s3], $0x80, v3, vm0, $0xb8;
	[tilespmem:$0x1E100] =	vst v63  }
0x28: {  	s20 =	simm.s32 $0x3900  }
0x29: {  	[tilespmem:s20], [sflag:$0x1] =	stream.indirect_vreg.gather [hbm4b:s5+s3], $0x80, v3, vm0, $0xb8;
	[tilespmem:$0x1E100] =	vst v63  }
0x2a: {  	s21 =	simm.s32 $0x4100  }
0x2b: {  	[tilespmem:s21], [sflag:$0x1] =	stream.indirect_vreg.gather [hbm4b:s6+s3], $0x80, v3, vm0, $0xb8;
	[tilespmem:$0x1E100] =	vst v63  }
0x2c: {  	s22 =	simm.s32 $0x4900  }
0x2d: {  	[tilespmem:s22], [sflag:$0x1] =	stream.indirect_vreg.gather [hbm4b:s7+s3], $0x80, v3, vm0, $0xb8;
	[tilespmem:$0x1E100] =	vst v63  }
0x2e: {  	s23 =	simm.s32 $0x5100  }
0x2f: {  	[tilespmem:s23], [sflag:$0x1] =	stream.indirect_vreg.gather [hbm4b:s8+s3], $0x80, v3, vm0, $0xb8;
	[tilespmem:$0x1E100] =	vst v63  }
0x30: {  	s25 =	simm.s32 $0x5900  }
0x31: {  	[tilespmem:s25], [sflag:$0x1] =	stream.indirect_vreg.gather [hbm4b:s9+s3], $0x80, v3, vm0, $0xb8;
	[tilespmem:$0x1E100] =	vst v63  }
0x32: {  	v3 =	vld [tilespmem:$0x10];
	_ =	sdelay $0x4  }
0x33: {  	v4 =	vshrl.u32 v3, $0x3  }
0x34: {  	v4 =	vmul.u32 $0x60, v4  }
0x35: {  	v3 =	vand.u32 $0x7, v3  }
0x36: {  	v3 =	vor.u32 v3, v4  }
0x37: {  	v4 =	vperm.xlane v3, v0;
	_ =	sdelay $0x1  }
0x38: {  	v4 =	vadd.s32 v1, v4;
	_ =	sdelay $0x3  }
0x39: {  	s26 =	simm.s32 $0x6100  }
0x3a: {  	[tilespmem:s26], [sflag:$0x2] =	stream.indirect_vreg.gather [hbm4b:s2+s3], $0x80, v4, vm0, $0xb8;
	[tilespmem:$0x1E100] =	vst v63  }
0x3b: {  	s30 =	simm.s32 $0x6900  }
0x3c: {  	[tilespmem:s30], [sflag:$0x2] =	stream.indirect_vreg.gather [hbm4b:s5+s3], $0x80, v4, vm0, $0xb8;
	[tilespmem:$0x1E100] =	vst v63  }
0x3d: {  	s31 =	simm.s32 $0x7100  }
0x3e: {  	[tilespmem:s31], [sflag:$0x2] =	stream.indirect_vreg.gather [hbm4b:s6+s3], $0x80, v4, vm0, $0xb8;
	[tilespmem:$0x1E100] =	vst v63  }
0x3f: {  	s11 =	simm.s32 $0x7900;
	v3 =	vperm.xlane v3, v2  }
0x40: {  	[tilespmem:s11], [sflag:$0x2] =	stream.indirect_vreg.gather [hbm4b:s7+s3], $0x80, v4, vm0, $0xb8;
	[tilespmem:$0x1E100] =	vst v63  }
0x41: {  	s18 =	simm.s32 $0x8100;
	v3 =	vadd.s32 v1, v3  }
0x42: {  	[tilespmem:s18], [sflag:$0x2] =	stream.indirect_vreg.gather [hbm4b:s8+s3], $0x80, v4, vm0, $0xb8;
	[tilespmem:$0x1E100] =	vst v63  }
0x43: {  	s19 =	simm.s32 $0x8900  }
0x44: {  	[tilespmem:s19], [sflag:$0x2] =	stream.indirect_vreg.gather [hbm4b:s9+s3], $0x80, v4, vm0, $0xb8;
	[tilespmem:$0x1E100] =	vst v63  }
0x45: {  	s20 =	simm.s32 $0x9100  }
0x46: {  	[tilespmem:s20], [sflag:$0x2] =	stream.indirect_vreg.gather [hbm4b:s2+s3], $0x80, v3, vm0, $0xb8;
	[tilespmem:$0x1E100] =	vst v63  }
0x47: {  	s21 =	simm.s32 $0x9900  }
0x48: {  	[tilespmem:s21], [sflag:$0x2] =	stream.indirect_vreg.gather [hbm4b:s5+s3], $0x80, v3, vm0, $0xb8;
	[tilespmem:$0x1E100] =	vst v63  }
0x49: {  	s22 =	simm.s32 $0xA100  }
0x4a: {  	[tilespmem:s22], [sflag:$0x2] =	stream.indirect_vreg.gather [hbm4b:s6+s3], $0x80, v3, vm0, $0xb8;
	[tilespmem:$0x1E100] =	vst v63  }
0x4b: {  	s23 =	simm.s32 $0xA900  }
0x4c: {  	[tilespmem:s23], [sflag:$0x2] =	stream.indirect_vreg.gather [hbm4b:s7+s3], $0x80, v3, vm0, $0xb8;
	[tilespmem:$0x1E100] =	vst v63  }
0x4d: {  	s25 =	simm.s32 $0xB100  }
0x4e: {  	[tilespmem:s25], [sflag:$0x2] =	stream.indirect_vreg.gather [hbm4b:s8+s3], $0x80, v3, vm0, $0xb8;
	[tilespmem:$0x1E100] =	vst v63  }
0x4f: {  	s26 =	simm.s32 $0xB900  }
0x50: {  	[tilespmem:s26], [sflag:$0x2] =	stream.indirect_vreg.gather [hbm4b:s9+s3], $0x80, v3, vm0, $0xb8;
	[tilespmem:$0x1E100] =	vst v63  }
0x51: {  	v3 =	vld [tilespmem:$0x20];
	_ =	sdelay $0x4  }
0x52: {  	v4 =	vshrl.u32 v3, $0x3  }
0x53: {  	v4 =	vmul.u32 $0x60, v4  }
0x54: {  	v3 =	vand.u32 $0x7, v3  }
0x55: {  	v3 =	vor.u32 v3, v4  }
0x56: {  	v4 =	vperm.xlane v3, v0;
	_ =	sdelay $0x1  }
0x57: {  	v4 =	vadd.s32 v1, v4;
	_ =	sdelay $0x3  }
0x58: {  	s30 =	simm.s32 $0xC100  }
0x59: {  	[tilespmem:s30], [sflag:$0x3] =	stream.indirect_vreg.gather [hbm4b:s2+s3], $0x80, v4, vm0, $0xb8;
	[tilespmem:$0x1E100] =	vst v63  }
0x5a: {  	s31 =	simm.s32 $0xC900  }
0x5b: {  	[tilespmem:s31], [sflag:$0x3] =	stream.indirect_vreg.gather [hbm4b:s5+s3], $0x80, v4, vm0, $0xb8;
	[tilespmem:$0x1E100] =	vst v63  }
0x5c: {  	s11 =	simm.s32 $0xD100  }
0x5d: {  	[tilespmem:s11], [sflag:$0x3] =	stream.indirect_vreg.gather [hbm4b:s6+s3], $0x80, v4, vm0, $0xb8;
	[tilespmem:$0x1E100] =	vst v63  }
0x5e: {  	s18 =	simm.s32 $0xD900;
	v3 =	vperm.xlane v3, v2  }
0x5f: {  	[tilespmem:s18], [sflag:$0x3] =	stream.indirect_vreg.gather [hbm4b:s7+s3], $0x80, v4, vm0, $0xb8;
	[tilespmem:$0x1E100] =	vst v63  }
0x60: {  	s19 =	simm.s32 $0xE100;
	v3 =	vadd.s32 v1, v3  }
0x61: {  	[tilespmem:s19], [sflag:$0x3] =	stream.indirect_vreg.gather [hbm4b:s8+s3], $0x80, v4, vm0, $0xb8;
	[tilespmem:$0x1E100] =	vst v63  }
0x62: {  	s20 =	simm.s32 $0xE900  }
0x63: {  	[tilespmem:s20], [sflag:$0x3] =	stream.indirect_vreg.gather [hbm4b:s9+s3], $0x80, v4, vm0, $0xb8;
	[tilespmem:$0x1E100] =	vst v63  }
0x64: {  	s21 =	simm.s32 $0xF100  }
0x65: {  	[tilespmem:s21], [sflag:$0x3] =	stream.indirect_vreg.gather [hbm4b:s2+s3], $0x80, v3, vm0, $0xb8;
	[tilespmem:$0x1E100] =	vst v63  }
0x66: {  	s22 =	simm.s32 $0xF900  }
0x67: {  	[tilespmem:s22], [sflag:$0x3] =	stream.indirect_vreg.gather [hbm4b:s5+s3], $0x80, v3, vm0, $0xb8;
	[tilespmem:$0x1E100] =	vst v63  }
0x68: {  	s23 =	simm.s32 $0x10100  }
0x69: {  	[tilespmem:s23], [sflag:$0x3] =	stream.indirect_vreg.gather [hbm4b:s6+s3], $0x80, v3, vm0, $0xb8;
	[tilespmem:$0x1E100] =	vst v63  }
0x6a: {  	s25 =	simm.s32 $0x10900  }
0x6b: {  	[tilespmem:s25], [sflag:$0x3] =	stream.indirect_vreg.gather [hbm4b:s7+s3], $0x80, v3, vm0, $0xb8;
	[tilespmem:$0x1E100] =	vst v63  }
0x6c: {  	s26 =	simm.s32 $0x11100  }
0x6d: {  	[tilespmem:s26], [sflag:$0x3] =	stream.indirect_vreg.gather [hbm4b:s8+s3], $0x80, v3, vm0, $0xb8;
	[tilespmem:$0x1E100] =	vst v63  }
0x6e: {  	s30 =	simm.s32 $0x11900  }
0x6f: {  	[tilespmem:s30], [sflag:$0x3] =	stream.indirect_vreg.gather [hbm4b:s9+s3], $0x80, v3, vm0, $0xb8;
	[tilespmem:$0x1E100] =	vst v63  }
0x70: {  	v3 =	vld [tilespmem:$0x30];
	_ =	sdelay $0x4  }
0x71: {  	v4 =	vshrl.u32 v3, $0x3  }
0x72: {  	v4 =	vmul.u32 $0x60, v4  }
0x73: {  	v3 =	vand.u32 $0x7, v3  }
0x74: {  	v3 =	vor.u32 v3, v4  }
0x75: {  	v4 =	vperm.xlane v3, v0;
	_ =	sdelay $0x1  }
0x76: {  	v4 =	vadd.s32 v1, v4;
	_ =	sdelay $0x3  }
0x77: {  	s31 =	simm.s32 $0x12100  }
0x78: {  	[tilespmem:s31], [sflag:$0x4] =	stream.indirect_vreg.gather [hbm4b:s2+s3], $0x80, v4, vm0, $0xb8;
	[tilespmem:$0x1E100] =	vst v63  }
0x79: {  	s11 =	simm.s32 $0x12900  }
0x7a: {  	[tilespmem:s11], [sflag:$0x4] =	stream.indirect_vreg.gather [hbm4b:s5+s3], $0x80, v4, vm0, $0xb8;
	[tilespmem:$0x1E100] =	vst v63  }
0x7b: {  	s18 =	simm.s32 $0x13100  }
0x7c: {  	[tilespmem:s18], [sflag:$0x4] =	stream.indirect_vreg.gather [hbm4b:s6+s3], $0x80, v4, vm0, $0xb8;
	[tilespmem:$0x1E100] =	vst v63  }
0x7d: {  	s19 =	simm.s32 $0x13900;
	v3 =	vperm.xlane v3, v2  }
0x7e: {  	[tilespmem:s19], [sflag:$0x4] =	stream.indirect_vreg.gather [hbm4b:s7+s3], $0x80, v4, vm0, $0xb8;
	[tilespmem:$0x1E100] =	vst v63  }
0x7f: {  	s20 =	simm.s32 $0x14100;
	v3 =	vadd.s32 v1, v3  }
0x80: {  	[tilespmem:s20], [sflag:$0x4] =	stream.indirect_vreg.gather [hbm4b:s8+s3], $0x80, v4, vm0, $0xb8;
	[tilespmem:$0x1E100] =	vst v63  }
0x81: {  	s21 =	simm.s32 $0x14900  }
0x82: {  	[tilespmem:s21], [sflag:$0x4] =	stream.indirect_vreg.gather [hbm4b:s9+s3], $0x80, v4, vm0, $0xb8;
	[tilespmem:$0x1E100] =	vst v63  }
0x83: {  	s22 =	simm.s32 $0x15100  }
0x84: {  	[tilespmem:s22], [sflag:$0x4] =	stream.indirect_vreg.gather [hbm4b:s2+s3], $0x80, v3, vm0, $0xb8;
	[tilespmem:$0x1E100] =	vst v63  }
0x85: {  	s23 =	simm.s32 $0x15900  }
0x86: {  	[tilespmem:s23], [sflag:$0x4] =	stream.indirect_vreg.gather [hbm4b:s5+s3], $0x80, v3, vm0, $0xb8;
	[tilespmem:$0x1E100] =	vst v63  }
0x87: {  	s25 =	simm.s32 $0x16100  }
0x88: {  	[tilespmem:s25], [sflag:$0x4] =	stream.indirect_vreg.gather [hbm4b:s6+s3], $0x80, v3, vm0, $0xb8;
	[tilespmem:$0x1E100] =	vst v63  }
0x89: {  	s26 =	simm.s32 $0x16900  }
0x8a: {  	[tilespmem:s26], [sflag:$0x4] =	stream.indirect_vreg.gather [hbm4b:s7+s3], $0x80, v3, vm0, $0xb8;
	[tilespmem:$0x1E100] =	vst v63  }
0x8b: {  	s30 =	simm.s32 $0x17100  }
0x8c: {  	[tilespmem:s30], [sflag:$0x4] =	stream.indirect_vreg.gather [hbm4b:s8+s3], $0x80, v3, vm0, $0xb8;
	[tilespmem:$0x1E100] =	vst v63  }
0x8d: {  	s31 =	simm.s32 $0x17900  }
0x8e: {  	[tilespmem:s31], [sflag:$0x4] =	stream.indirect_vreg.gather [hbm4b:s9+s3], $0x80, v3, vm0, $0xb8;
	[tilespmem:$0x1E100] =	vst v63  }
0x8f: {  	v3 =	vld [tilespmem:$0x40];
	_ =	sdelay $0x4  }
0x90: {  	v4 =	vshrl.u32 v3, $0x3  }
0x91: {  	v4 =	vmul.u32 $0x60, v4  }
0x92: {  	v3 =	vand.u32 $0x7, v3  }
0x93: {  	v3 =	vor.u32 v3, v4  }
0x94: {  	v4 =	vperm.xlane v3, v0;
	_ =	sdelay $0x1  }
0x95: {  	v4 =	vadd.s32 v1, v4;
	_ =	sdelay $0x3  }
0x96: {  	s11 =	simm.s32 $0x18100  }
0x97: {  	[tilespmem:s11], [sflag:$0x5] =	stream.indirect_vreg.gather [hbm4b:s2+s3], $0x80, v4, vm0, $0xb8;
	[tilespmem:$0x1E100] =	vst v63  }
0x98: {  	p1 =	por $0x1, $0x1;
	s18 =	simm.s32 $0x18900  }
0x99: {  	[tilespmem:s18], [sflag:$0x5] =	stream.indirect_vreg.gather [hbm4b:s5+s3], $0x80, v4, vm0, $0xb8;
	[tilespmem:$0x1E100] =	vst v63  }
0x9a: {  	p0 =	por @!p1 $0x0, $0x0;
	s19 =	simm.s32 $0x19100;
	s30 =	smul.u32 $0xCD, s3  }
0x9b: {  	[tilespmem:s19], [sflag:$0x5] =	stream.indirect_vreg.gather [hbm4b:s6+s3], $0x80, v4, vm0, $0xb8;
	[tilespmem:$0x1E100] =	vst v63  }
0x9c: {  	p3 =	por p0, p1;
	s20 =	simm.s32 $0x19900;
	v3 =	vperm.xlane v3, v2;
	s11 =	sshrl.u32 s30, $0xA  }
0x9d: {  	[tilespmem:s20], [sflag:$0x5] =	stream.indirect_vreg.gather [hbm4b:s7+s3], $0x80, v4, vm0, $0xb8;
	[tilespmem:$0x1E100] =	vst v63  }
0x9e: {  	s21 =	simm.s32 $0x1A100;
	s22 =	simm.s32 $0x1A900;
	v3 =	vadd.s32 v1, v3;
	s11 =	sand.u32 $0x3F, s11  }
0x9f: {  	[tilespmem:s21], [sflag:$0x5] =	stream.indirect_vreg.gather [hbm4b:s8+s3], $0x80, v4, vm0, $0xb8;
	[tilespmem:$0x1E100] =	vst v63  }
0xa0: {  	s23 =	simm.s32 $0x1B100;
	s18 =	simm.s32 @!p1 $0xFFFFFFFE;
	s11 =	smul.u32 $0x5, s11  }
0xa1: {  	[tilespmem:s22], [sflag:$0x5] =	stream.indirect_vreg.gather [hbm4b:s9+s3], $0x80, v4, vm0, $0xb8;
	[tilespmem:$0x1E100] =	vst v63  }
0xa2: {  	s25 =	simm.s32 $0x1B900;
	s18 =	sand.u32 @!p1 $0xFF, s18;
	s11 =	ssub.s32 $0x0, s11  }
0xa3: {  	[tilespmem:s23], [sflag:$0x5] =	stream.indirect_vreg.gather [hbm4b:s2+s3], $0x80, v3, vm0, $0xb8;
	[tilespmem:$0x1E100] =	vst v63  }
0xa4: {  	s26 =	simm.s32 $0x1C100;
	s18 =	smul.u32 @!p1 $0xCD, s18;
	s11 =	sand.u32 $0xFF, s11  }
0xa5: {  	[tilespmem:s25], [sflag:$0x5] =	stream.indirect_vreg.gather [hbm4b:s5+s3], $0x80, v3, vm0, $0xb8;
	[tilespmem:$0x1E100] =	vst v63  }
0xa6: {  	s19 =	simm.s32 $0x1;
	s18 =	sshrl.u32 @!p1 s18, $0xA;
	s30 =	smul.u32 $0x18000, s11  }
0xa7: {  	[tilespmem:s26], [sflag:$0x5] =	stream.indirect_vreg.gather [hbm4b:s6+s3], $0x80, v3, vm0, $0xb8;
	[tilespmem:$0x1E100] =	vst v63  }
0xa8: {  	s20 =	sadd.s32 $0xC00, s24;
	s29 =	sadd.s32 $0x1, s11;
	s23 =	smul.u32 @!p1 $0x5, s18  }
0xa9: {  	[tilespmem:s0], [sflag:$0x5] =	stream.indirect_vreg.gather [hbm4b:s7+s3], $0x80, v3, vm0, $0xb8;
	[tilespmem:$0x1E100] =	vst v63  }
0xaa: {  	s21 =	simm.s32 $0x30;
	s31 =	sshrl.u32 s30, $0x2;
	s23 =	ssub.s32 @!p1 $0xFFFFFFFE, s23  }
0xab: {  	[tilespmem:s12], [sflag:$0x5] =	stream.indirect_vreg.gather [hbm4b:s8+s3], $0x80, v3, vm0, $0xb8;
	[tilespmem:$0x1E100] =	vst v63  }
0xac: {  	s22 =	simm.s32 $0x2;
	s18 =	simm.s32 $0x40;
	s25 =	sand.u32 @!p1 $0xFF, s23  }
0xad: {  	[tilespmem:s13], [sflag:$0x5] =	stream.indirect_vreg.gather [hbm4b:s9+s3], $0x80, v3, vm0, $0xb8;
	[tilespmem:$0x1E100] =	vst v63  }
0xae: {  	s28 =	sadd.s32 @!p1 $0x6, s25;
	s23 =	smul.u32 @!p3 $0x18000, s25;
	_ =	swait.ge [sflag:s29], $0x6000  }
0xaf: {  	s26 =	sadd.s32 $0x6, s11;
	s11 =	smov.u32 s24;
	v3 =	vlaneseq.u32 @!p3;
	[sflag:s29] =	ssyncset.done $0x0  }
0xb0: {  	s23 =	sshrl.u32 @!p3 s23, $0x2;
	v4 =	vand.u32 @!p3 $0x7, v3;
	v5 =	vshrl.u32 @!p3 v3, $0x3;
	v3 =	vor.u32 @!p3 $0x8, v3;
	[sflag:s29] =	ssyncadd.s32 $0xFFFFA000;
	s29 =	sor.u32 $0x100, s31  }
.LBB2_2:
0xb1: {  	[hbm4b:s11+s3] =	stream.linear.scatter [tilespmem:s29], [sflag:s26], $0x6000, $0x38;
	[tilespmem:$0x1E100] =	vst v63  }
0xb2: {  	s26 =	smov.u32 s19  }
0xb3: {  	s19 =	smov.u32 s22;
	s11 =	smov.u32 s20;
	p2 =	por p3, p3  }
0xb4: {  	s22 =	sadd.s32 $0x1, s22;
	_ =	swait.ge @!p1 [sflag:s28], $0x6000  }
0xb5: {  	p0 =	sne.s32 s22, $0x10;
	[sflag:s28] =	ssyncset.done @!p1 $0x0  }
0xb6: {  	[sflag:s28] =	ssyncadd.s32 @!p1 $0xFFFFA000  }
0xb7: {  	v6 =	vld @!p2 [tilespmem:s21+$0x0];
	s21 =	smov.u32 s18;
	_ =	sdelay $0x4  }
0xb8: {  	v7 =	vshrl.u32 @!p2 v6, $0x3  }
0xb9: {  	v7 =	vmul.u32 @!p2 $0x60, v7  }
0xba: {  	v6 =	vand.u32 @!p2 $0x7, v6  }
0xbb: {  	v6 =	vor.u32 @!p2 v6, v7  }
0xbc: {  	v5 =	vmul.u32 @!p2 $0x8, v5;
	v4 =	vperm.xlane @!p2 v6, v4;
	v3 =	vperm.xlane @!p2 v6, v3;
	_ =	sdelay $0x1  }
0xbd: {  	v4 =	vadd.s32 @!p2 v5, v4  }
0xbe: {  	s30 =	sor.u32 @!p2 $0x100, s23;
	s28 =	sadd.s32 @!p2 $0x1, s25;
	_ =	sdelay $0x1  }
0xbf: {  	s25 =	sor.u32 @!p2 $0x900, s23  }
0xc0: {  	vm1 =	vmmov @!p2 $0xffff;
	s29 =	simm.s32 @!p2 $0x0  }
0xc1: {  	[tilespmem:s30], [sflag:s28] =	stream.indirect_vreg.gather @!p2 [hbm4b:s2+s29], $0x80, v4, vm1, $0xb8;
	[tilespmem:$0x1E100] =	vst v63  }
0xc2: {  	_ = 	snop  }
0xc3: {  	[tilespmem:s25], [sflag:s28] =	stream.indirect_vreg.gather @!p2 [hbm4b:s5+s29], $0x80, v4, vm1, $0xb8;
	[tilespmem:$0x1E100] =	vst v63  }
0xc4: {  	s25 =	sor.u32 @!p2 $0x1100, s23  }
0xc5: {  	[tilespmem:s25], [sflag:s28] =	stream.indirect_vreg.gather @!p2 [hbm4b:s6+s29], $0x80, v4, vm1, $0xb8;
	[tilespmem:$0x1E100] =	vst v63  }
0xc6: {  	s20 =	sadd.s32 $0xC00, s20;
	s25 =	sor.u32 @!p2 $0x1900, s23  }
0xc7: {  	[tilespmem:s25], [sflag:s28] =	stream.indirect_vreg.gather @!p2 [hbm4b:s7+s29], $0x80, v4, vm1, $0xb8;
	[tilespmem:$0x1E100] =	vst v63  }
0xc8: {  	s18 =	sadd.s32 $0x10, s18;
	v6 =	vadd.s32 @!p2 v5, v3;
	s30 =	sadd.s32 @!p2 $0x2100, s23;
	s25 =	smul.u32 $0xCD, s26  }
0xc9: {  	[tilespmem:s30], [sflag:s28] =	stream.indirect_vreg.gather @!p2 [hbm4b:s8+s29], $0x80, v4, vm1, $0xb8;
	[tilespmem:$0x1E100] =	vst v63  }
0xca: {  	p1 =	slt.u32 s26, $0x2;
	s25 =	sshrl.u32 s25, $0xA;
	s30 =	sadd.s32 @!p2 $0x2900, s23  }
0xcb: {  	s31 =	sadd.s32 @!p1 $0xFFFFFFFE, s26;
	p3 =	sgt.u32 @!p1 s26, $0xC;
	s25 =	sand.u32 $0x3F, s25  }
0xcc: {  	[tilespmem:s30], [sflag:s28] =	stream.indirect_vreg.gather @!p2 [hbm4b:s9+s29], $0x80, v4, vm1, $0xb8;
	[tilespmem:$0x1E100] =	vst v63  }
0xcd: {  	s1 =	sadd.s32 @!p2 $0x3100, s23;
	s25 =	smul.u32 $0x5, s25;
	s30 =	sand.u32 @!p1 $0xFF, s31  }
0xce: {  	[tilespmem:s1], [sflag:s28] =	stream.indirect_vreg.gather @!p2 [hbm4b:s2+s29], $0x80, v6, vm1, $0xb8;
	[tilespmem:$0x1E100] =	vst v63  }
0xcf: {  	s1 =	ssub.s32 s26, s25  }
0xd0: {  	s25 =	smul.u32 @!p1 $0xCD, s30;
	s26 =	sadd.s32 @!p2 $0x3900, s23;
	s30 =	sadd.s32 @!p2 $0x5900, s23  }
0xd1: {  	[tilespmem:s26], [sflag:s28] =	stream.indirect_vreg.gather @!p2 [hbm4b:s5+s29], $0x80, v6, vm1, $0xb8;
	[tilespmem:$0x1E100] =	vst v63  }
0xd2: {  	s1 =	sand.u32 $0xFF, s1;
	s25 =	sshrl.u32 @!p1 s25, $0xA;
	s26 =	sadd.s32 @!p2 $0x4100, s23  }
0xd3: {  	[tilespmem:s26], [sflag:s28] =	stream.indirect_vreg.gather @!p2 [hbm4b:s6+s29], $0x80, v6, vm1, $0xb8;
	[tilespmem:$0x1E100] =	vst v63  }
0xd4: {  	s25 =	smul.u32 @!p1 $0x5, s25;
	s26 =	sadd.s32 @!p2 $0x4900, s23;
	s23 =	sadd.s32 @!p2 $0x5100, s23  }
0xd5: {  	[tilespmem:s26], [sflag:s28] =	stream.indirect_vreg.gather @!p2 [hbm4b:s7+s29], $0x80, v6, vm1, $0xb8;
	[tilespmem:$0x1E100] =	vst v63  }
0xd6: {  	p3 =	por p3, p1;
	s25 =	ssub.s32 @!p1 s31, s25;
	s31 =	smul.u32 $0x18000, s1  }
0xd7: {  	v3 =	vlaneseq.u32 @!p3;
	[tilespmem:s23], [sflag:s28] =	stream.indirect_vreg.gather @!p2 [hbm4b:s8+s29], $0x80, v6, vm1, $0xb8;
	[tilespmem:$0x1E100] =	vst v63  }
.Ltmp0:
0xd8: {  	v5 =	vshrl.u32 @!p3 v3, $0x3;
	v4 =	vand.u32 @!p3 $0x7, v3;
	v3 =	vor.u32 @!p3 $0x8, v3;
	s25 =	sand.u32 @!p1 $0xFF, s25;
	s23 =	sadd.s32 $0x1, s1;
	(pc) =	sbr.rel @p0 .LBB2_2-.Ltmp0, $4  }
0xd9: {  	[tilespmem:s30], [sflag:s28] =	stream.indirect_vreg.gather @!p2 [hbm4b:s9+s29], $0x80, v6, vm1, $0xb8;
	[tilespmem:$0x1E100] =	vst v63  }
0xda: {  	s28 =	sadd.s32 @!p1 $0x6, s25;
	s30 =	smul.u32 @!p3 $0x18000, s25;
	_ =	swait.ge [sflag:s23], $0x6000  }
0xdb: {  	s26 =	sadd.s32 $0x6, s1;
	s1 =	sshrl.u32 s31, $0x2;
	[sflag:s23] =	ssyncset.done $0x0  }
0xdc: {  	s29 =	sor.u32 $0x100, s1;
	[sflag:s23] =	ssyncadd.s32 $0xFFFFA000;
	s23 =	sshrl.u32 @!p3 s30, $0x2  }
0xdd: {  	[hbm4b:s11+s3] =	stream.linear.scatter [tilespmem:s29], [sflag:s26], $0x6000, $0x38;
	[tilespmem:$0x1E100] =	vst v63  }
0xde: {  	_ =	swait.ge @!p1 [sflag:s28], $0x6000  }
0xdf: {  	[sflag:s28] =	ssyncset.done @!p1 $0x0  }
0xe0: {  	p0 =	por p3, p3;
	[sflag:s28] =	ssyncadd.s32 @!p1 $0xFFFFA000  }
0xe1: {  	v6 =	vld @!p0 [tilespmem:s21+$0x0];
	_ =	sdelay $0x4  }
0xe2: {  	v7 =	vshrl.u32 @!p0 v6, $0x3  }
0xe3: {  	v7 =	vmul.u32 @!p0 $0x60, v7  }
0xe4: {  	v6 =	vand.u32 @!p0 $0x7, v6  }
0xe5: {  	v6 =	vor.u32 @!p0 v6, v7  }
0xe6: {  	v5 =	vmul.u32 @!p0 $0x8, v5;
	v4 =	vperm.xlane @!p0 v6, v4;
	_ =	sdelay $0x1  }
0xe7: {  	v4 =	vadd.s32 @!p0 v5, v4;
	_ =	sdelay $0x3  }
0xe8: {  	s1 =	sor.u32 @!p0 $0x100, s23;
	s11 =	sadd.s32 @!p0 $0x1, s25;
	vm1 =	vmmov @!p0 $0xffff;
	s21 =	simm.s32 @!p0 $0x0  }
0xe9: {  	[tilespmem:s1], [sflag:s11] =	stream.indirect_vreg.gather @!p0 [hbm4b:s2+s21], $0x80, v4, vm1, $0xb8;
	[tilespmem:$0x1E100] =	vst v63  }
0xea: {  	s1 =	sor.u32 @!p0 $0x900, s23  }
0xeb: {  	[tilespmem:s1], [sflag:s11] =	stream.indirect_vreg.gather @!p0 [hbm4b:s5+s21], $0x80, v4, vm1, $0xb8;
	[tilespmem:$0x1E100] =	vst v63  }
0xec: {  	s1 =	sor.u32 @!p0 $0x1100, s23  }
0xed: {  	[tilespmem:s1], [sflag:s11] =	stream.indirect_vreg.gather @!p0 [hbm4b:s6+s21], $0x80, v4, vm1, $0xb8;
	[tilespmem:$0x1E100] =	vst v63  }
0xee: {  	s1 =	sor.u32 @!p0 $0x1900, s23  }
0xef: {  	v3 =	vperm.xlane @!p0 v6, v3;
	[tilespmem:s1], [sflag:s11] =	stream.indirect_vreg.gather @!p0 [hbm4b:s7+s21], $0x80, v4, vm1, $0xb8;
	[tilespmem:$0x1E100] =	vst v63  }
0xf0: {  	s28 =	smul.u32 $0xCD, s19;
	s1 =	sadd.s32 @!p0 $0x2100, s23  }
0xf1: {  	v3 =	vadd.s32 @!p0 v5, v3;
	[tilespmem:s1], [sflag:s11] =	stream.indirect_vreg.gather @!p0 [hbm4b:s8+s21], $0x80, v4, vm1, $0xb8;
	[tilespmem:$0x1E100] =	vst v63  }
0xf2: {  	s1 =	sshrl.u32 s28, $0xA  }
0xf3: {  	s22 =	sadd.s32 @!p0 $0x2900, s23;
	s1 =	sand.u32 $0x3F, s1  }
0xf4: {  	[tilespmem:s22], [sflag:s11] =	stream.indirect_vreg.gather @!p0 [hbm4b:s9+s21], $0x80, v4, vm1, $0xb8;
	[tilespmem:$0x1E100] =	vst v63  }
0xf5: {  	s22 =	sadd.s32 @!p0 $0x3100, s23;
	s1 =	smul.u32 $0x5, s1  }
0xf6: {  	[tilespmem:s22], [sflag:s11] =	stream.indirect_vreg.gather @!p0 [hbm4b:s2+s21], $0x80, v3, vm1, $0xb8;
	[tilespmem:$0x1E100] =	vst v63  }
0xf7: {  	p1 =	slt.u32 s19, $0x2;
	s1 =	ssub.s32 s19, s1  }
0xf8: {  	s25 =	sadd.s32 @!p0 $0x3900, s23;
	s22 =	sadd.s32 @!p1 $0xFFFFFFFE, s19;
	s1 =	sand.u32 $0xFF, s1  }
0xf9: {  	[tilespmem:s25], [sflag:s11] =	stream.indirect_vreg.gather @!p0 [hbm4b:s5+s21], $0x80, v3, vm1, $0xb8;
	[tilespmem:$0x1E100] =	vst v63  }
0xfa: {  	s26 =	sadd.s32 @!p0 $0x4100, s23;
	s25 =	sand.u32 @!p1 $0xFF, s22;
	s30 =	smul.u32 $0x18000, s1  }
0xfb: {  	[tilespmem:s26], [sflag:s11] =	stream.indirect_vreg.gather @!p0 [hbm4b:s6+s21], $0x80, v3, vm1, $0xb8;
	[tilespmem:$0x1E100] =	vst v63  }
0xfc: {  	s25 =	smul.u32 @!p1 $0xCD, s25;
	s26 =	sadd.s32 @!p0 $0x4900, s23  }
0xfd: {  	[tilespmem:s26], [sflag:s11] =	stream.indirect_vreg.gather @!p0 [hbm4b:s7+s21], $0x80, v3, vm1, $0xb8;
	[tilespmem:$0x1E100] =	vst v63  }
0xfe: {  	s25 =	sshrl.u32 @!p1 s25, $0xA;
	s26 =	sadd.s32 @!p0 $0x5900, s23;
	s23 =	sadd.s32 @!p0 $0x5100, s23  }
0xff: {  	[tilespmem:s23], [sflag:s11] =	stream.indirect_vreg.gather @!p0 [hbm4b:s8+s21], $0x80, v3, vm1, $0xb8;
	[tilespmem:$0x1E100] =	vst v63  }
0x100: {  	s29 =	sadd.s32 $0x1, s1;
	s25 =	smul.u32 @!p1 $0x5, s25  }
0x101: {  	[tilespmem:s26], [sflag:s11] =	stream.indirect_vreg.gather @!p0 [hbm4b:s9+s21], $0x80, v3, vm1, $0xb8;
	[tilespmem:$0x1E100] =	vst v63  }
0x102: {  	s1 =	sadd.s32 $0x6, s1;
	s22 =	ssub.s32 @!p1 s22, s25;
	_ =	swait.ge [sflag:s29], $0x6000  }
0x103: {  	s31 =	sshrl.u32 s30, $0x2;
	s11 =	sand.u32 @!p1 $0xFF, s22;
	[sflag:s29] =	ssyncset.done $0x0  }
0x104: {  	s22 =	sor.u32 $0x100, s31;
	s21 =	sadd.s32 @!p1 $0x6, s11;
	[sflag:s29] =	ssyncadd.s32 $0xFFFFA000  }
0x105: {  	[hbm4b:s20+s3] =	stream.linear.scatter [tilespmem:s22], [sflag:s1], $0x6000, $0x38;
	[tilespmem:$0x1E100] =	vst v63  }
0x106: {  	p0 =	sgt.u32 @!p1 s19, $0xC;
	_ =	swait.ge @!p1 [sflag:s21], $0x6000  }
0x107: {  	p2 =	por p0, p1;
	[sflag:s21] =	ssyncset.done @!p1 $0x0  }
0x108: {  	p0 =	por p2, p2;
	[sflag:s21] =	ssyncadd.s32 @!p1 $0xFFFFA000  }
0x109: {  	v3 =	vld @!p0 [tilespmem:s18+$0x0];
	_ =	sdelay $0x4  }
0x10a: {  	v4 =	vshrl.u32 @!p0 v3, $0x3  }
0x10b: {  	v4 =	vmul.u32 @!p0 $0x60, v4  }
0x10c: {  	v5 =	vlaneseq.u32 @!p2;
	v3 =	vand.u32 @!p0 $0x7, v3  }
0x10d: {  	v6 =	vand.u32 @!p2 $0x7, v5;
	v7 =	vshrl.u32 @!p2 v5, $0x3;
	v3 =	vor.u32 @!p0 v3, v4  }
0x10e: {  	v4 =	vperm.xlane @!p0 v3, v6;
	v6 =	vmul.u32 @!p0 $0x8, v7;
	_ =	sdelay $0x1  }
0x10f: {  	v4 =	vadd.s32 @!p0 v6, v4  }
0x110: {  	s1 =	smul.u32 @!p2 $0x18000, s11;
	_ =	sdelay $0x1  }
0x111: {  	s1 =	sshrl.u32 @!p2 s1, $0x2  }
0x112: {  	vm1 =	vmmov @!p0 $0xffff;
	s19 =	simm.s32 @!p0 $0x0;
	s11 =	sadd.s32 @!p0 $0x1, s11;
	s18 =	sor.u32 @!p0 $0x100, s1  }
0x113: {  	[tilespmem:s18], [sflag:s11] =	stream.indirect_vreg.gather @!p0 [hbm4b:s2+s19], $0x80, v4, vm1, $0xb8;
	[tilespmem:$0x1E100] =	vst v63  }
0x114: {  	s18 =	sor.u32 @!p0 $0x900, s1  }
0x115: {  	[tilespmem:s18], [sflag:s11] =	stream.indirect_vreg.gather @!p0 [hbm4b:s5+s19], $0x80, v4, vm1, $0xb8;
	[tilespmem:$0x1E100] =	vst v63  }
0x116: {  	s18 =	sor.u32 @!p0 $0x1100, s1  }
0x117: {  	v5 =	vor.u32 @!p2 $0x8, v5;
	[tilespmem:s18], [sflag:s11] =	stream.indirect_vreg.gather @!p0 [hbm4b:s6+s19], $0x80, v4, vm1, $0xb8;
	[tilespmem:$0x1E100] =	vst v63  }
0x118: {  	v3 =	vperm.xlane @!p0 v3, v5;
	s18 =	sor.u32 @!p0 $0x1900, s1  }
0x119: {  	[tilespmem:s18], [sflag:s11] =	stream.indirect_vreg.gather @!p0 [hbm4b:s7+s19], $0x80, v4, vm1, $0xb8;
	[tilespmem:$0x1E100] =	vst v63  }
0x11a: {  	v3 =	vadd.s32 @!p0 v6, v3;
	s18 =	sadd.s32 @!p0 $0x2100, s1  }
0x11b: {  	[tilespmem:s18], [sflag:s11] =	stream.indirect_vreg.gather @!p0 [hbm4b:s8+s19], $0x80, v4, vm1, $0xb8;
	[tilespmem:$0x1E100] =	vst v63  }
0x11c: {  	s18 =	sadd.s32 @!p0 $0x2900, s1  }
0x11d: {  	[tilespmem:s18], [sflag:s11] =	stream.indirect_vreg.gather @!p0 [hbm4b:s9+s19], $0x80, v4, vm1, $0xb8;
	[tilespmem:$0x1E100] =	vst v63  }
0x11e: {  	s18 =	sadd.s32 @!p0 $0x3100, s1  }
0x11f: {  	[tilespmem:s18], [sflag:s11] =	stream.indirect_vreg.gather @!p0 [hbm4b:s2+s19], $0x80, v3, vm1, $0xb8;
	[tilespmem:$0x1E100] =	vst v63  }
0x120: {  	s18 =	sadd.s32 @!p0 $0x3900, s1  }
0x121: {  	[tilespmem:s18], [sflag:s11] =	stream.indirect_vreg.gather @!p0 [hbm4b:s5+s19], $0x80, v3, vm1, $0xb8;
	[tilespmem:$0x1E100] =	vst v63  }
0x122: {  	s18 =	sadd.s32 @!p0 $0x4100, s1  }
0x123: {  	[tilespmem:s18], [sflag:s11] =	stream.indirect_vreg.gather @!p0 [hbm4b:s6+s19], $0x80, v3, vm1, $0xb8;
	[tilespmem:$0x1E100] =	vst v63  }
0x124: {  	s18 =	sadd.s32 @!p0 $0x4900, s1  }
0x125: {  	[tilespmem:s18], [sflag:s11] =	stream.indirect_vreg.gather @!p0 [hbm4b:s7+s19], $0x80, v3, vm1, $0xb8;
	[tilespmem:$0x1E100] =	vst v63  }
0x126: {  	s18 =	sadd.s32 @!p0 $0x5100, s1  }
0x127: {  	[tilespmem:s18], [sflag:s11] =	stream.indirect_vreg.gather @!p0 [hbm4b:s8+s19], $0x80, v3, vm1, $0xb8;
	[tilespmem:$0x1E100] =	vst v63  }
0x128: {  	s17 =	sadd.s32 $0x1, s17;
	s1 =	sadd.s32 @!p0 $0x5900, s1  }
0x129: {  	[tilespmem:s1], [sflag:s11] =	stream.indirect_vreg.gather @!p0 [hbm4b:s9+s19], $0x80, v3, vm1, $0xb8;
	[tilespmem:$0x1E100] =	vst v63  }
0x12a: {  	p0 =	sne.s32 s17, s10;
	_ =	swait.ge [sflag:s15], $0x6000  }
.Ltmp1:
0x12b: {  	[sflag:s15] =	ssyncset.done $0x0;
	(pc) =	sbr.rel @p0 .LBB2_1-.Ltmp1, $4  }
0x12c: {  	[sflag:s15] =	ssyncadd.s32 $0xFFFFA000  }
0x12d: {  	_ =	swait.ge [sflag:s16], $0x6000  }
0x12e: {  	[sflag:s16] =	ssyncset.done $0x0  }
0x12f: {  	[sflag:s16] =	ssyncadd.s32 $0xFFFFA000  }
0x130: {  	_ =	sfence.sel $0x180000  }
0x131: {  	[bflag:$0x0] =	sbarrier.arrive $0xFFFF  }
0x132: {  	_ =	strace $0x90000047  }
0x133: {  	s0 =	stileid.u32;
	[bflag:$0x2] =	sbarrier.arrive $0xFFFF  }
0x134: {  	p0 =	sne.s32 s0, $0x0;
	s0 =	rddreg [dreg:$0x3]  }
0x135: {  	s0 =	sadd.s32 @!p0 $0x100000, s0  }
0x136: {  	[sflag:s0] =	ssyncadd.tile.s32 @!p0 $0x1;
	_ =	shalt  }
.Lfunc_end2:
_tile_overlayer_lowered:
.L_overlay_start_2:
0x137: {  	(tag) =	ssettag $0x2  }
0x138: {  	s0 =	rddreg [dreg:$0x0];
	s2 =	stileid.u32  }
0x139: {  	s1 =	rddreg [dreg:$0x1];
	p0 =	sne.s32 s2, $0x0  }
0x13a: {  	s3 =	rddreg [dreg:$0x2];
	[bflag:$0x3] =	sbarrier.arrive $0xFFFF;
	s2 =	simm.s32 @!p0 $0x1C0B  }
0x13b: {  	[timem:s3], [sflag:s2] =	dma.local @!p0 [hbm:s0], s1  }
0x13c: {  	s0 =	simm.s32 @!p0 $0xB  }
0x13d: {  	_ =	swait.ge @!p0 [sflag:s0], s1  }
0x13e: {  	s1 =	ssub.s32 @!p0 $0x0, s1;
	[sflag:s0] =	ssyncset.done @!p0 $0x0  }
0x13f: {  	[sflag:s0] =	ssyncadd.s32 @!p0 s1  }
0x140: {  	[bflag:$0x3] =	sbarrier.arrive $0xFFFF  }
0x141: {  	_ =	shalt  }

</sc_bundles>
